<compile_context>
chip_gen: v7x
topology: tpu7x:2x2x1
jax: 0.10.2.dev20260603
libtpu: 0.0.44.dev20260713+nightly
codegen_flags: <defaults>
</compile_context>

<pallas_src>
import functools

import numpy as np
import jax
import jax.numpy as jnp
from jax import lax
from jax.experimental import pallas as pl
from jax.experimental.pallas import tpu as pltpu
from jax.experimental.pallas import tpu_sc as plsc

_VOCAB = 1000000
_DIM = 64
_DEGREE = 3
_NUM_CTRL = 64
_B = 16384

_NC = 2
_NS = 16
_NW = _NC * _NS
_BPW = _B // _NW
_CHUNK = 128
_NCH = _BPW // _CHUNK


def _sc_gather_body(ids_hbm, table_hbm, lin16_hbm, emb_out, lin_out,
                    idx_v, idx16_v, rows_v, lin16_v, lin_v, sem_e, sem_l):
    wid = lax.axis_index("s") * _NC + lax.axis_index("c")
    base = wid * _BPW
    for j in range(_NCH):
        pltpu.sync_copy(ids_hbm.at[pl.ds(base + j * _CHUNK, _CHUNK)],
                        idx_v.at[j])
    for j in range(_NCH):
        for o in range(_CHUNK // 16):
            ids16 = idx_v[j, pl.ds(o * 16, 16)]
            idx16_v[j, pl.ds(o * 16, 16)] = lax.shift_right_logical(ids16, 4)
    copies = []
    for j in range(_NCH):
        copies.append(pltpu.async_copy(
            table_hbm.at[idx_v.at[j]],
            rows_v.at[pl.ds(j * _CHUNK, _CHUNK)], sem_e))
        copies.append(pltpu.async_copy(
            lin16_hbm.at[idx16_v.at[j]],
            lin16_v.at[pl.ds(j * _CHUNK, _CHUNK)], sem_l))
    for c in copies:
        c.wait()
    lane = lax.iota(jnp.int32, 16)
    for it in range(_BPW // 16):
        ids16 = idx_v[it // 8, pl.ds((it % 8) * 16, 16)]
        row = jnp.full((16,), it * 16, jnp.int32) + lane
        col = lax.bitwise_and(ids16, jnp.full((16,), 15, jnp.int32))
        lin_v[pl.ds(it * 16, 16)] = plsc.load_gather(lin16_v, [row, col])
    pltpu.sync_copy(rows_v, emb_out.at[pl.ds(base, _BPW)])
    pltpu.sync_copy(lin_v, lin_out.at[pl.ds(base, _BPW)])


@functools.cache
def _sc_gather():
    return pl.kernel(
        _sc_gather_body,
        out_type=(jax.ShapeDtypeStruct((_B, _DIM), jnp.float32),
                  jax.ShapeDtypeStruct((_B,), jnp.float32)),
        mesh=plsc.VectorSubcoreMesh(core_axis_name="c", subcore_axis_name="s"),
        scratch_types=(
            pltpu.VMEM((_NCH, _CHUNK), jnp.int32),
            pltpu.VMEM((_NCH, _CHUNK), jnp.int32),
            pltpu.VMEM((_BPW, _DIM), jnp.float32),
            pltpu.VMEM((_BPW, 16), jnp.float32),
            pltpu.VMEM((_BPW,), jnp.float32),
            pltpu.SemaphoreType.DMA,
            pltpu.SemaphoreType.DMA,
        ),
        compiler_params=pltpu.CompilerParams(use_tc_tiling_on_sc=False,
                                             needs_layout_passes=False),
    )


_ROWS = 2048


def _knot(j):
    return jnp.clip((j - float(_DEGREE)) * (1.0 / (_NUM_CTRL - _DEGREE)),
                    0.0, 1.0)


def _tc_spline_body(scalar_ref, mask_ref, disc_emb_ref, disc_lin_ref,
                    ectrl_ref, lctrl_ref, emb_out_ref, lin_out_ref):
    x = scalar_ref[...]
    t = jnp.clip(jax.nn.sigmoid(x), 1e-6, 1.0 - 1e-6)
    j0 = lax.broadcasted_iota(
        jnp.int32, (1, _NUM_CTRL + _DEGREE), 1).astype(jnp.float32)
    basis = jnp.where((t >= _knot(j0)) & (t < _knot(j0 + 1.0)), 1.0, 0.0)
    for p in range(1, _DEGREE + 1):
        w = _NUM_CTRL + _DEGREE - p
        j = lax.broadcasted_iota(jnp.int32, (1, w), 1).astype(jnp.float32)
        k_i = _knot(j)
        k_ip = _knot(j + float(p))
        k_i1 = _knot(j + 1.0)
        k_ip1 = _knot(j + float(p + 1))
        d1 = k_ip - k_i
        d2 = k_ip1 - k_i1
        r1 = jnp.where(d1 > 0, 1.0 / jnp.where(d1 > 0, d1, 1.0), 0.0)
        r2 = jnp.where(d2 > 0, 1.0 / jnp.where(d2 > 0, d2, 1.0), 0.0)
        basis = ((t - k_i) * r1 * basis[:, :-1]
                 + (k_ip1 - t) * r2 * basis[:, 1:])
    cont_emb = jnp.dot(basis, ectrl_ref[...],
                       preferred_element_type=jnp.float32)
    cont_lin = jnp.dot(basis, lctrl_ref[...],
                       preferred_element_type=jnp.float32)
    m = mask_ref[...] != 0
    emb_out_ref[...] = jnp.where(m, cont_emb, disc_emb_ref[...])
    lin_out_ref[...] = jnp.where(m, cont_lin, disc_lin_ref[...])


_tc_spline = pl.pallas_call(
    _tc_spline_body,
    grid=(_B // _ROWS,),
    in_specs=[
        pl.BlockSpec((_ROWS, 1), lambda i: (i, 0)),
        pl.BlockSpec((_ROWS, 1), lambda i: (i, 0)),
        pl.BlockSpec((_ROWS, _DIM), lambda i: (i, 0)),
        pl.BlockSpec((_ROWS, 1), lambda i: (i, 0)),
        pl.BlockSpec((_NUM_CTRL, _DIM), lambda i: (0, 0)),
        pl.BlockSpec((_NUM_CTRL, 1), lambda i: (0, 0)),
    ],
    out_specs=[
        pl.BlockSpec((_ROWS, _DIM), lambda i: (i, 0)),
        pl.BlockSpec((_ROWS, 1), lambda i: (i, 0)),
    ],
    out_shape=[
        jax.ShapeDtypeStruct((_B, _DIM), jnp.float32),
        jax.ShapeDtypeStruct((_B, 1), jnp.float32),
    ],
)


def kernel(token_ids, positive_mask, scalar, emb_table, lin_table,
           emb_ctrl, lin_ctrl):
    ids = token_ids.astype(jnp.int32)
    lin16 = lin_table.reshape(_VOCAB // 16, 16)
    disc_emb, disc_lin = _sc_gather()(ids, emb_table, lin16)
    emb, lin = _tc_spline(scalar[:, None],
                          positive_mask.astype(jnp.int32)[:, None],
                          disc_emb, disc_lin[:, None], emb_ctrl, lin_ctrl)
    return emb, lin[:, 0]

# --- scband reference (transcript-rebuilt; emitter-appended) ---
"""Pipeline reference for scband-bspline-integer-field-module-89507118449317 (READ-ONLY COPY).

The authoritative reference and input builder live on the scoring server;
editing this copy changes nothing except your own understanding.
"""

import jax, jax.numpy as jnp
import numpy as np

VOCAB = 1000000
DIM = 64
DEGREE = 3
NUM_CTRL = 64
NORM_SCALE = 1.0
INIT_SCALE = 0.01


def bspline_basis(t, num_ctrl, degree):
    # clamped uniform knot vector of length num_ctrl + degree + 1
    knots = jnp.concatenate([
        jnp.zeros(degree, dtype=jnp.float32),
        jnp.linspace(0.0, 1.0, num_ctrl - degree + 1, dtype=jnp.float32),
        jnp.ones(degree, dtype=jnp.float32),
    ])
    t = jnp.clip(t, 1e-6, 1.0 - 1e-6)
    tb = t[:, None]
    # degree-0 basis: [B, num_ctrl + degree]
    N = jnp.where((tb >= knots[None, :-1]) & (tb < knots[None, 1:]), 1.0, 0.0)
    for p in range(1, degree + 1):
        k_i = knots[:-(p + 1)]
        k_ip = knots[p:-1]
        k_i1 = knots[1:-p]
        k_ip1 = knots[p + 1:]
        d1 = k_ip - k_i
        d2 = k_ip1 - k_i1
        t1 = jnp.where(d1 > 0, (tb - k_i[None, :]) / jnp.where(d1 > 0, d1, 1.0), 0.0) * N[:, :-1]
        t2 = jnp.where(d2 > 0, (k_ip1[None, :] - tb) / jnp.where(d2 > 0, d2, 1.0), 0.0) * N[:, 1:]
        N = t1 + t2
    return N  # [B, num_ctrl]


def setup_inputs(seed: int = 0) -> dict:
    key = jax.random.key(seed)
    k1, k2, k3, k4, k5, k6, k7 = jax.random.split(key, 7)
    B = 16384
    token_ids = jax.random.randint(k1, (B,), 0, VOCAB, dtype=jnp.int64 if jax.config.jax_enable_x64 else jnp.int32)
    positive_mask = jax.random.randint(k2, (B,), 0, 2).astype(jnp.bool_)
    scalar = jax.random.normal(k3, (B,), dtype=jnp.float32)
    emb_table = jax.random.normal(k4, (VOCAB, DIM), dtype=jnp.float32) * INIT_SCALE
    lin_table = jnp.zeros((VOCAB, 1), dtype=jnp.float32)
    emb_ctrl = jax.random.normal(k5, (NUM_CTRL, DIM), dtype=jnp.float32) * 0.02
    lin_ctrl = jax.random.normal(k6, (NUM_CTRL, 1), dtype=jnp.float32) * 0.02
    return {
        "token_ids": token_ids,
        "positive_mask": positive_mask,
        "scalar": scalar,
        "emb_table": emb_table,
        "lin_table": lin_table,
        "emb_ctrl": emb_ctrl,
        "lin_ctrl": lin_ctrl,
    }


def reference(token_ids, positive_mask, scalar, emb_table, lin_table, emb_ctrl, lin_ctrl):
    # DiscreteFieldModule: embedding + per-id linear term (gathers)
    disc_emb = jnp.take(emb_table, token_ids, axis=0)           # [B, DIM]
    disc_lin = jnp.take(lin_table, token_ids, axis=0)[:, 0]    # [B]
    # BSplineCurve: sigmoid normalization then clamped uniform B-spline eval
    t = jax.nn.sigmoid(scalar * NORM_SCALE)                     # [B]
    basis = bspline_basis(t, NUM_CTRL, DEGREE)                  # [B, NUM_CTRL]
    cont_emb = basis @ emb_ctrl                                 # [B, DIM]
    cont_lin = (basis @ lin_ctrl)[:, 0]                         # [B]
    mask = positive_mask[:, None]
    emb = jnp.where(mask, cont_emb, disc_emb)
    lin = jnp.where(positive_mask, cont_lin, disc_lin)
    return (emb, lin)

if __name__ == "__main__":
    import jax
    _d = setup_inputs()
    print(jax.jit(kernel)(*tuple(_d.values())))

</pallas_src>

<mosaic_0001>
#map = affine_map<(d0, d1) -> (0)>
#map1 = affine_map<(d0, d1) -> (0, 0)>
module attributes {stable_mosaic.version = 14 : i64} {
  func.func @_sc_gather_body(%arg0: i32, %arg1: i32, %arg2: memref<16384xi32, #tpu.memory_space<hbm>>, %arg3: memref<1000000x64xf32, #tpu.memory_space<hbm>>, %arg4: memref<62500x16xf32, #tpu.memory_space<hbm>>, %arg5: memref<16384x64xf32, #tpu.memory_space<hbm>>, %arg6: memref<16384xf32, #tpu.memory_space<hbm>>, %arg7: memref<4x128xi32, #tpu.memory_space<vmem>>, %arg8: memref<4x128xi32, #tpu.memory_space<vmem>>, %arg9: memref<512x64xf32, #tpu.memory_space<vmem>>, %arg10: memref<512x16xf32, #tpu.memory_space<vmem>>, %arg11: memref<512xf32, #tpu.memory_space<vmem>>, %arg12: memref<!tpu.dma_semaphore, #tpu.memory_space<semaphore_mem>>, %arg13: memref<!tpu.dma_semaphore, #tpu.memory_space<semaphore_mem>>) attributes {dimension_semantics = [#tpu.dimension_semantics<core_parallel>, #tpu.dimension_semantics<subcore_parallel>], iteration_bounds = array<i64: 2, 16>, scalar_prefetch = 0 : i64, scratch_operands = 7 : i64, tpu.core_type = #tpu.core_type<sc_vector_subcore>, window_params = [{transform_indices = #map}, {transform_indices = #map1}, {transform_indices = #map1}, {transform_indices = #map1}, {transform_indices = #map}]} {
    %mul3A = arith.constant 2 : i32
    %mul3A_0 = arith.muli %arg1, %mul3A : i32
    %add3A = arith.addi %mul3A_0, %arg0 : i32
    %mul3A_1 = arith.constant 512 : i32
    %mul3A_2 = arith.muli %add3A, %mul3A_1 : i32
    %add3A_3 = arith.constant 0 : i32
    %add3A_4 = arith.addi %mul3A_2, %add3A_3 : i32
    %run_scoped3A = arith.constant 0 : i32
    "tpu.region"() ({
      %run_scoped3A_934 = tpu.sem_alloc : memref<!tpu.dma_semaphore, #tpu.memory_space<semaphore_mem>>
      %dma_start3A_935 = arith.constant 0 : i32
      %dma_start3A_936 = tpu.memref_slice %arg7[%run_scoped3A, %dma_start3A_935] : memref<4x128xi32, #tpu.memory_space<vmem>> -> memref<1x128xi32, #tpu.memory_space<vmem>>
      %dma_start3A_937 = tpu.memref_squeeze %dma_start3A_936 : memref<1x128xi32, #tpu.memory_space<vmem>> -> memref<128xi32, #tpu.memory_space<vmem>>
      %dma_start3A_938 = tpu.memref_slice %arg2[%add3A_4] : memref<16384xi32, #tpu.memory_space<hbm>> -> memref<128xi32, #tpu.memory_space<hbm>>
      %dma_start3A_939 = arith.constant 0 : i32
      %dma_start3A_940 = tpu.memref_slice %arg7[%run_scoped3A, %dma_start3A_939] : memref<4x128xi32, #tpu.memory_space<vmem>> -> memref<1x128xi32, #tpu.memory_space<vmem>>
      %dma_start3A_941 = tpu.memref_squeeze %dma_start3A_940 : memref<1x128xi32, #tpu.memory_space<vmem>> -> memref<128xi32, #tpu.memory_space<vmem>>
      %dma_start3A_942 = tpu.memref_slice %arg2[%add3A_4] : memref<16384xi32, #tpu.memory_space<hbm>> -> memref<128xi32, #tpu.memory_space<hbm>>
      tpu.enqueue_dma source(%dma_start3A_942 : memref<128xi32, #tpu.memory_space<hbm>>) target(%dma_start3A_941 : memref<128xi32, #tpu.memory_space<vmem>>) target_semaphore(%run_scoped3A_934 : memref<!tpu.dma_semaphore, #tpu.memory_space<semaphore_mem>>)
      %dma_wait3A_943 = arith.constant 0 : i32
      %dma_wait3A_944 = tpu.memref_slice %arg7[%run_scoped3A, %dma_wait3A_943] : memref<4x128xi32, #tpu.memory_space<vmem>> -> memref<1x128xi32, #tpu.memory_space<vmem>>
      %dma_wait3A_945 = tpu.memref_squeeze %dma_wait3A_944 : memref<1x128xi32, #tpu.memory_space<vmem>> -> memref<128xi32, #tpu.memory_space<vmem>>
      %dma_wait3A_946 = tpu.memref_slice %arg2[%add3A_4] : memref<16384xi32, #tpu.memory_space<hbm>> -> memref<128xi32, #tpu.memory_space<hbm>>
      %dma_wait3A_947 = arith.constant 0 : i32
      %dma_wait3A_948 = tpu.memref_slice %arg7[%run_scoped3A, %dma_wait3A_947] : memref<4x128xi32, #tpu.memory_space<vmem>> -> memref<1x128xi32, #tpu.memory_space<vmem>>
      %dma_wait3A_949 = tpu.memref_squeeze %dma_wait3A_948 : memref<1x128xi32, #tpu.memory_space<vmem>> -> memref<128xi32, #tpu.memory_space<vmem>>
      %dma_wait3A_950 = tpu.memref_slice %arg2[%add3A_4] : memref<16384xi32, #tpu.memory_space<hbm>> -> memref<128xi32, #tpu.memory_space<hbm>>
      tpu.wait_dma2 semaphore(%run_scoped3A_934 : memref<!tpu.dma_semaphore, #tpu.memory_space<semaphore_mem>>) src(%dma_wait3A_950 : memref<128xi32, #tpu.memory_space<hbm>>) dst(%dma_wait3A_949 : memref<128xi32, #tpu.memory_space<vmem>>)
      tpu.yield
    }) : () -> ()
    %add3A_5 = arith.constant 128 : i32
    %add3A_6 = arith.addi %mul3A_2, %add3A_5 : i32
    %run_scoped3A_7 = arith.constant 1 : i32
    "tpu.region"() ({
      %run_scoped3A_934 = tpu.sem_alloc : memref<!tpu.dma_semaphore, #tpu.memory_space<semaphore_mem>>
      %dma_start3A_935 = arith.constant 0 : i32
      %dma_start3A_936 = tpu.memref_slice %arg7[%run_scoped3A_7, %dma_start3A_935] : memref<4x128xi32, #tpu.memory_space<vmem>> -> memref<1x128xi32, #tpu.memory_space<vmem>>
      %dma_start3A_937 = tpu.memref_squeeze %dma_start3A_936 : memref<1x128xi32, #tpu.memory_space<vmem>> -> memref<128xi32, #tpu.memory_space<vmem>>
      %dma_start3A_938 = tpu.memref_slice %arg2[%add3A_6] : memref<16384xi32, #tpu.memory_space<hbm>> -> memref<128xi32, #tpu.memory_space<hbm>>
      %dma_start3A_939 = arith.constant 0 : i32
      %dma_start3A_940 = tpu.memref_slice %arg7[%run_scoped3A_7, %dma_start3A_939] : memref<4x128xi32, #tpu.memory_space<vmem>> -> memref<1x128xi32, #tpu.memory_space<vmem>>
      %dma_start3A_941 = tpu.memref_squeeze %dma_start3A_940 : memref<1x128xi32, #tpu.memory_space<vmem>> -> memref<128xi32, #tpu.memory_space<vmem>>
      %dma_start3A_942 = tpu.memref_slice %arg2[%add3A_6] : memref<16384xi32, #tpu.memory_space<hbm>> -> memref<128xi32, #tpu.memory_space<hbm>>
      tpu.enqueue_dma source(%dma_start3A_942 : memref<128xi32, #tpu.memory_space<hbm>>) target(%dma_start3A_941 : memref<128xi32, #tpu.memory_space<vmem>>) target_semaphore(%run_scoped3A_934 : memref<!tpu.dma_semaphore, #tpu.memory_space<semaphore_mem>>)
      %dma_wait3A_943 = arith.constant 0 : i32
      %dma_wait3A_944 = tpu.memref_slice %arg7[%run_scoped3A_7, %dma_wait3A_943] : memref<4x128xi32, #tpu.memory_space<vmem>> -> memref<1x128xi32, #tpu.memory_space<vmem>>
      %dma_wait3A_945 = tpu.memref_squeeze %dma_wait3A_944 : memref<1x128xi32, #tpu.memory_space<vmem>> -> memref<128xi32, #tpu.memory_space<vmem>>
      %dma_wait3A_946 = tpu.memref_slice %arg2[%add3A_6] : memref<16384xi32, #tpu.memory_space<hbm>> -> memref<128xi32, #tpu.memory_space<hbm>>
      %dma_wait3A_947 = arith.constant 0 : i32
      %dma_wait3A_948 = tpu.memref_slice %arg7[%run_scoped3A_7, %dma_wait3A_947] : memref<4x128xi32, #tpu.memory_space<vmem>> -> memref<1x128xi32, #tpu.memory_space<vmem>>
      %dma_wait3A_949 = tpu.memref_squeeze %dma_wait3A_948 : memref<1x128xi32, #tpu.memory_space<vmem>> -> memref<128xi32, #tpu.memory_space<vmem>>
      %dma_wait3A_950 = tpu.memref_slice %arg2[%add3A_6] : memref<16384xi32, #tpu.memory_space<hbm>> -> memref<128xi32, #tpu.memory_space<hbm>>
      tpu.wait_dma2 semaphore(%run_scoped3A_934 : memref<!tpu.dma_semaphore, #tpu.memory_space<semaphore_mem>>) src(%dma_wait3A_950 : memref<128xi32, #tpu.memory_space<hbm>>) dst(%dma_wait3A_949 : memref<128xi32, #tpu.memory_space<vmem>>)
      tpu.yield
    }) : () -> ()
    %add3A_8 = arith.constant 256 : i32
    %add3A_9 = arith.addi %mul3A_2, %add3A_8 : i32
    %run_scoped3A_10 = arith.constant 2 : i32
    "tpu.region"() ({
      %run_scoped3A_934 = tpu.sem_alloc : memref<!tpu.dma_semaphore, #tpu.memory_space<semaphore_mem>>
      %dma_start3A_935 = arith.constant 0 : i32
      %dma_start3A_936 = tpu.memref_slice %arg7[%run_scoped3A_10, %dma_start3A_935] : memref<4x128xi32, #tpu.memory_space<vmem>> -> memref<1x128xi32, #tpu.memory_space<vmem>>
      %dma_start3A_937 = tpu.memref_squeeze %dma_start3A_936 : memref<1x128xi32, #tpu.memory_space<vmem>> -> memref<128xi32, #tpu.memory_space<vmem>>
      %dma_start3A_938 = tpu.memref_slice %arg2[%add3A_9] : memref<16384xi32, #tpu.memory_space<hbm>> -> memref<128xi32, #tpu.memory_space<hbm>>
      %dma_start3A_939 = arith.constant 0 : i32
      %dma_start3A_940 = tpu.memref_slice %arg7[%run_scoped3A_10, %dma_start3A_939] : memref<4x128xi32, #tpu.memory_space<vmem>> -> memref<1x128xi32, #tpu.memory_space<vmem>>
      %dma_start3A_941 = tpu.memref_squeeze %dma_start3A_940 : memref<1x128xi32, #tpu.memory_space<vmem>> -> memref<128xi32, #tpu.memory_space<vmem>>
      %dma_start3A_942 = tpu.memref_slice %arg2[%add3A_9] : memref<16384xi32, #tpu.memory_space<hbm>> -> memref<128xi32, #tpu.memory_space<hbm>>
      tpu.enqueue_dma source(%dma_start3A_942 : memref<128xi32, #tpu.memory_space<hbm>>) target(%dma_start3A_941 : memref<128xi32, #tpu.memory_space<vmem>>) target_semaphore(%run_scoped3A_934 : memref<!tpu.dma_semaphore, #tpu.memory_space<semaphore_mem>>)
      %dma_wait3A_943 = arith.constant 0 : i32
      %dma_wait3A_944 = tpu.memref_slice %arg7[%run_scoped3A_10, %dma_wait3A_943] : memref<4x128xi32, #tpu.memory_space<vmem>> -> memref<1x128xi32, #tpu.memory_space<vmem>>
      %dma_wait3A_945 = tpu.memref_squeeze %dma_wait3A_944 : memref<1x128xi32, #tpu.memory_space<vmem>> -> memref<128xi32, #tpu.memory_space<vmem>>
      %dma_wait3A_946 = tpu.memref_slice %arg2[%add3A_9] : memref<16384xi32, #tpu.memory_space<hbm>> -> memref<128xi32, #tpu.memory_space<hbm>>
      %dma_wait3A_947 = arith.constant 0 : i32
      %dma_wait3A_948 = tpu.memref_slice %arg7[%run_scoped3A_10, %dma_wait3A_947] : memref<4x128xi32, #tpu.memory_space<vmem>> -> memref<1x128xi32, #tpu.memory_space<vmem>>
      %dma_wait3A_949 = tpu.memref_squeeze %dma_wait3A_948 : memref<1x128xi32, #tpu.memory_space<vmem>> -> memref<128xi32, #tpu.memory_space<vmem>>
      %dma_wait3A_950 = tpu.memref_slice %arg2[%add3A_9] : memref<16384xi32, #tpu.memory_space<hbm>> -> memref<128xi32, #tpu.memory_space<hbm>>
      tpu.wait_dma2 semaphore(%run_scoped3A_934 : memref<!tpu.dma_semaphore, #tpu.memory_space<semaphore_mem>>) src(%dma_wait3A_950 : memref<128xi32, #tpu.memory_space<hbm>>) dst(%dma_wait3A_949 : memref<128xi32, #tpu.memory_space<vmem>>)
      tpu.yield
    }) : () -> ()
    %add3A_11 = arith.constant 384 : i32
    %add3A_12 = arith.addi %mul3A_2, %add3A_11 : i32
    %run_scoped3A_13 = arith.constant 3 : i32
    "tpu.region"() ({
      %run_scoped3A_934 = tpu.sem_alloc : memref<!tpu.dma_semaphore, #tpu.memory_space<semaphore_mem>>
      %dma_start3A_935 = arith.constant 0 : i32
      %dma_start3A_936 = tpu.memref_slice %arg7[%run_scoped3A_13, %dma_start3A_935] : memref<4x128xi32, #tpu.memory_space<vmem>> -> memref<1x128xi32, #tpu.memory_space<vmem>>
      %dma_start3A_937 = tpu.memref_squeeze %dma_start3A_936 : memref<1x128xi32, #tpu.memory_space<vmem>> -> memref<128xi32, #tpu.memory_space<vmem>>
      %dma_start3A_938 = tpu.memref_slice %arg2[%add3A_12] : memref<16384xi32, #tpu.memory_space<hbm>> -> memref<128xi32, #tpu.memory_space<hbm>>
      %dma_start3A_939 = arith.constant 0 : i32
      %dma_start3A_940 = tpu.memref_slice %arg7[%run_scoped3A_13, %dma_start3A_939] : memref<4x128xi32, #tpu.memory_space<vmem>> -> memref<1x128xi32, #tpu.memory_space<vmem>>
      %dma_start3A_941 = tpu.memref_squeeze %dma_start3A_940 : memref<1x128xi32, #tpu.memory_space<vmem>> -> memref<128xi32, #tpu.memory_space<vmem>>
      %dma_start3A_942 = tpu.memref_slice %arg2[%add3A_12] : memref<16384xi32, #tpu.memory_space<hbm>> -> memref<128xi32, #tpu.memory_space<hbm>>
      tpu.enqueue_dma source(%dma_start3A_942 : memref<128xi32, #tpu.memory_space<hbm>>) target(%dma_start3A_941 : memref<128xi32, #tpu.memory_space<vmem>>) target_semaphore(%run_scoped3A_934 : memref<!tpu.dma_semaphore, #tpu.memory_space<semaphore_mem>>)
      %dma_wait3A_943 = arith.constant 0 : i32
      %dma_wait3A_944 = tpu.memref_slice %arg7[%run_scoped3A_13, %dma_wait3A_943] : memref<4x128xi32, #tpu.memory_space<vmem>> -> memref<1x128xi32, #tpu.memory_space<vmem>>
      %dma_wait3A_945 = tpu.memref_squeeze %dma_wait3A_944 : memref<1x128xi32, #tpu.memory_space<vmem>> -> memref<128xi32, #tpu.memory_space<vmem>>
      %dma_wait3A_946 = tpu.memref_slice %arg2[%add3A_12] : memref<16384xi32, #tpu.memory_space<hbm>> -> memref<128xi32, #tpu.memory_space<hbm>>
      %dma_wait3A_947 = arith.constant 0 : i32
      %dma_wait3A_948 = tpu.memref_slice %arg7[%run_scoped3A_13, %dma_wait3A_947] : memref<4x128xi32, #tpu.memory_space<vmem>> -> memref<1x128xi32, #tpu.memory_space<vmem>>
      %dma_wait3A_949 = tpu.memref_squeeze %dma_wait3A_948 : memref<1x128xi32, #tpu.memory_space<vmem>> -> memref<128xi32, #tpu.memory_space<vmem>>
      %dma_wait3A_950 = tpu.memref_slice %arg2[%add3A_12] : memref<16384xi32, #tpu.memory_space<hbm>> -> memref<128xi32, #tpu.memory_space<hbm>>
      tpu.wait_dma2 semaphore(%run_scoped3A_934 : memref<!tpu.dma_semaphore, #tpu.memory_space<semaphore_mem>>) src(%dma_wait3A_950 : memref<128xi32, #tpu.memory_space<hbm>>) dst(%dma_wait3A_949 : memref<128xi32, #tpu.memory_space<vmem>>)
      tpu.yield
    }) : () -> ()
    %get3A = arith.constant 0 : i32
    %get3A_14 = arith.index_cast %get3A : i32 to index
    %get3A_15 = arith.constant 0 : index
    %get3A_16 = tpu.vector_load %arg7[%get3A_14, %get3A_15] {strides = array<i32>} : memref<4x128xi32, #tpu.memory_space<vmem>>, vector<16xi32>,
    %shift_right_logical3A = arith.constant 4 : i32
    %shift_right_logical3A_17 = vector.broadcast %shift_right_logical3A : i32 to vector<16xi32>
    %shift_right_logical3A_18 = arith.shrui %get3A_16, %shift_right_logical3A_17 : vector<16xi32>
    %swap3A = arith.constant 0 : i32
    %swap3A_19 = arith.index_cast %swap3A : i32 to index
    %swap3A_20 = arith.constant 0 : index
    %swap3A_21 = tpu.vector_load %arg8[%swap3A_19, %swap3A_20] {strides = array<i32>} : memref<4x128xi32, #tpu.memory_space<vmem>>, vector<16xi32>,
    tpu.vector_store %arg8[%swap3A_19, %swap3A_20], %shift_right_logical3A_18 {strides = array<i32>} : memref<4x128xi32, #tpu.memory_space<vmem>>, vector<16xi32>,
    %get3A_22 = arith.constant 0 : i32
    %get3A_23 = arith.index_cast %get3A_22 : i32 to index
    %get3A_24 = arith.constant 16 : index
    %get3A_25 = tpu.vector_load %arg7[%get3A_23, %get3A_24] {strides = array<i32>} : memref<4x128xi32, #tpu.memory_space<vmem>>, vector<16xi32>,
    %shift_right_logical3A_26 = arith.constant 4 : i32
    %shift_right_logical3A_27 = vector.broadcast %shift_right_logical3A_26 : i32 to vector<16xi32>
    %shift_right_logical3A_28 = arith.shrui %get3A_25, %shift_right_logical3A_27 : vector<16xi32>
    %swap3A_29 = arith.constant 0 : i32
    %swap3A_30 = arith.index_cast %swap3A_29 : i32 to index
    %swap3A_31 = arith.constant 16 : index
    %swap3A_32 = tpu.vector_load %arg8[%swap3A_30, %swap3A_31] {strides = array<i32>} : memref<4x128xi32, #tpu.memory_space<vmem>>, vector<16xi32>,
    tpu.vector_store %arg8[%swap3A_30, %swap3A_31], %shift_right_logical3A_28 {strides = array<i32>} : memref<4x128xi32, #tpu.memory_space<vmem>>, vector<16xi32>,
    %get3A_33 = arith.constant 0 : i32
    %get3A_34 = arith.index_cast %get3A_33 : i32 to index
    %get3A_35 = arith.constant 32 : index
    %get3A_36 = tpu.vector_load %arg7[%get3A_34, %get3A_35] {strides = array<i32>} : memref<4x128xi32, #tpu.memory_space<vmem>>, vector<16xi32>,
    %shift_right_logical3A_37 = arith.constant 4 : i32
    %shift_right_logical3A_38 = vector.broadcast %shift_right_logical3A_37 : i32 to vector<16xi32>
    %shift_right_logical3A_39 = arith.shrui %get3A_36, %shift_right_logical3A_38 : vector<16xi32>
    %swap3A_40 = arith.constant 0 : i32
    %swap3A_41 = arith.index_cast %swap3A_40 : i32 to index
    %swap3A_42 = arith.constant 32 : index
    %swap3A_43 = tpu.vector_load %arg8[%swap3A_41, %swap3A_42] {strides = array<i32>} : memref<4x128xi32, #tpu.memory_space<vmem>>, vector<16xi32>,
    tpu.vector_store %arg8[%swap3A_41, %swap3A_42], %shift_right_logical3A_39 {strides = array<i32>} : memref<4x128xi32, #tpu.memory_space<vmem>>, vector<16xi32>,
    %get3A_44 = arith.constant 0 : i32
    %get3A_45 = arith.index_cast %get3A_44 : i32 to index
    %get3A_46 = arith.constant 48 : index
    %get3A_47 = tpu.vector_load %arg7[%get3A_45, %get3A_46] {strides = array<i32>} : memref<4x128xi32, #tpu.memory_space<vmem>>, vector<16xi32>,
    %shift_right_logical3A_48 = arith.constant 4 : i32
    %shift_right_logical3A_49 = vector.broadcast %shift_right_logical3A_48 : i32 to vector<16xi32>
    %shift_right_logical3A_50 = arith.shrui %get3A_47, %shift_right_logical3A_49 : vector<16xi32>
    %swap3A_51 = arith.constant 0 : i32
    %swap3A_52 = arith.index_cast %swap3A_51 : i32 to index
    %swap3A_53 = arith.constant 48 : index
    %swap3A_54 = tpu.vector_load %arg8[%swap3A_52, %swap3A_53] {strides = array<i32>} : memref<4x128xi32, #tpu.memory_space<vmem>>, vector<16xi32>,
    tpu.vector_store %arg8[%swap3A_52, %swap3A_53], %shift_right_logical3A_50 {strides = array<i32>} : memref<4x128xi32, #tpu.memory_space<vmem>>, vector<16xi32>,
    %get3A_55 = arith.constant 0 : i32
    %get3A_56 = arith.index_cast %get3A_55 : i32 to index
    %get3A_57 = arith.constant 64 : index
    %get3A_58 = tpu.vector_load %arg7[%get3A_56, %get3A_57] {strides = array<i32>} : memref<4x128xi32, #tpu.memory_space<vmem>>, vector<16xi32>,
    %shift_right_logical3A_59 = arith.constant 4 : i32
    %shift_right_logical3A_60 = vector.broadcast %shift_right_logical3A_59 : i32 to vector<16xi32>
    %shift_right_logical3A_61 = arith.shrui %get3A_58, %shift_right_logical3A_60 : vector<16xi32>
    %swap3A_62 = arith.constant 0 : i32
    %swap3A_63 = arith.index_cast %swap3A_62 : i32 to index
    %swap3A_64 = arith.constant 64 : index
    %swap3A_65 = tpu.vector_load %arg8[%swap3A_63, %swap3A_64] {strides = array<i32>} : memref<4x128xi32, #tpu.memory_space<vmem>>, vector<16xi32>,
    tpu.vector_store %arg8[%swap3A_63, %swap3A_64], %shift_right_logical3A_61 {strides = array<i32>} : memref<4x128xi32, #tpu.memory_space<vmem>>, vector<16xi32>,
    %get3A_66 = arith.constant 0 : i32
    %get3A_67 = arith.index_cast %get3A_66 : i32 to index
    %get3A_68 = arith.constant 80 : index
    %get3A_69 = tpu.vector_load %arg7[%get3A_67, %get3A_68] {strides = array<i32>} : memref<4x128xi32, #tpu.memory_space<vmem>>, vector<16xi32>,
    %shift_right_logical3A_70 = arith.constant 4 : i32
    %shift_right_logical3A_71 = vector.broadcast %shift_right_logical3A_70 : i32 to vector<16xi32>
    %shift_right_logical3A_72 = arith.shrui %get3A_69, %shift_right_logical3A_71 : vector<16xi32>
    %swap3A_73 = arith.constant 0 : i32
    %swap3A_74 = arith.index_cast %swap3A_73 : i32 to index
    %swap3A_75 = arith.constant 80 : index
    %swap3A_76 = tpu.vector_load %arg8[%swap3A_74, %swap3A_75] {strides = array<i32>} : memref<4x128xi32, #tpu.memory_space<vmem>>, vector<16xi32>,
    tpu.vector_store %arg8[%swap3A_74, %swap3A_75], %shift_right_logical3A_72 {strides = array<i32>} : memref<4x128xi32, #tpu.memory_space<vmem>>, vector<16xi32>,
    %get3A_77 = arith.constant 0 : i32
    %get3A_78 = arith.index_cast %get3A_77 : i32 to index
    %get3A_79 = arith.constant 96 : index
    %get3A_80 = tpu.vector_load %arg7[%get3A_78, %get3A_79] {strides = array<i32>} : memref<4x128xi32, #tpu.memory_space<vmem>>, vector<16xi32>,
    %shift_right_logical3A_81 = arith.constant 4 : i32
    %shift_right_logical3A_82 = vector.broadcast %shift_right_logical3A_81 : i32 to vector<16xi32>
    %shift_right_logical3A_83 = arith.shrui %get3A_80, %shift_right_logical3A_82 : vector<16xi32>
    %swap3A_84 = arith.constant 0 : i32
    %swap3A_85 = arith.index_cast %swap3A_84 : i32 to index
    %swap3A_86 = arith.constant 96 : index
    %swap3A_87 = tpu.vector_load %arg8[%swap3A_85, %swap3A_86] {strides = array<i32>} : memref<4x128xi32, #tpu.memory_space<vmem>>, vector<16xi32>,
    tpu.vector_store %arg8[%swap3A_85, %swap3A_86], %shift_right_logical3A_83 {strides = array<i32>} : memref<4x128xi32, #tpu.memory_space<vmem>>, vector<16xi32>,
    %get3A_88 = arith.constant 0 : i32
    %get3A_89 = arith.index_cast %get3A_88 : i32 to index
    %get3A_90 = arith.constant 112 : index
    %get3A_91 = tpu.vector_load %arg7[%get3A_89, %get3A_90] {strides = array<i32>} : memref<4x128xi32, #tpu.memory_space<vmem>>, vector<16xi32>,
    %shift_right_logical3A_92 = arith.constant 4 : i32
    %shift_right_logical3A_93 = vector.broadcast %shift_right_logical3A_92 : i32 to vector<16xi32>
    %shift_right_logical3A_94 = arith.shrui %get3A_91, %shift_right_logical3A_93 : vector<16xi32>
    %swap3A_95 = arith.constant 0 : i32
    %swap3A_96 = arith.index_cast %swap3A_95 : i32 to index
    %swap3A_97 = arith.constant 112 : index
    %swap3A_98 = tpu.vector_load %arg8[%swap3A_96, %swap3A_97] {strides = array<i32>} : memref<4x128xi32, #tpu.memory_space<vmem>>, vector<16xi32>,
    tpu.vector_store %arg8[%swap3A_96, %swap3A_97], %shift_right_logical3A_94 {strides = array<i32>} : memref<4x128xi32, #tpu.memory_space<vmem>>, vector<16xi32>,
    %get3A_99 = arith.constant 1 : i32
    %get3A_100 = arith.index_cast %get3A_99 : i32 to index
    %get3A_101 = arith.constant 0 : index
    %get3A_102 = tpu.vector_load %arg7[%get3A_100, %get3A_101] {strides = array<i32>} : memref<4x128xi32, #tpu.memory_space<vmem>>, vector<16xi32>,
    %shift_right_logical3A_103 = arith.constant 4 : i32
    %shift_right_logical3A_104 = vector.broadcast %shift_right_logical3A_103 : i32 to vector<16xi32>
    %shift_right_logical3A_105 = arith.shrui %get3A_102, %shift_right_logical3A_104 : vector<16xi32>
    %swap3A_106 = arith.constant 1 : i32
    %swap3A_107 = arith.index_cast %swap3A_106 : i32 to index
    %swap3A_108 = arith.constant 0 : index
    %swap3A_109 = tpu.vector_load %arg8[%swap3A_107, %swap3A_108] {strides = array<i32>} : memref<4x128xi32, #tpu.memory_space<vmem>>, vector<16xi32>,
    tpu.vector_store %arg8[%swap3A_107, %swap3A_108], %shift_right_logical3A_105 {strides = array<i32>} : memref<4x128xi32, #tpu.memory_space<vmem>>, vector<16xi32>,
    %get3A_110 = arith.constant 1 : i32
    %get3A_111 = arith.index_cast %get3A_110 : i32 to index
    %get3A_112 = arith.constant 16 : index
    %get3A_113 = tpu.vector_load %arg7[%get3A_111, %get3A_112] {strides = array<i32>} : memref<4x128xi32, #tpu.memory_space<vmem>>, vector<16xi32>,
    %shift_right_logical3A_114 = arith.constant 4 : i32
    %shift_right_logical3A_115 = vector.broadcast %shift_right_logical3A_114 : i32 to vector<16xi32>
    %shift_right_logical3A_116 = arith.shrui %get3A_113, %shift_right_logical3A_115 : vector<16xi32>
    %swap3A_117 = arith.constant 1 : i32
    %swap3A_118 = arith.index_cast %swap3A_117 : i32 to index
    %swap3A_119 = arith.constant 16 : index
    %swap3A_120 = tpu.vector_load %arg8[%swap3A_118, %swap3A_119] {strides = array<i32>} : memref<4x128xi32, #tpu.memory_space<vmem>>, vector<16xi32>,
    tpu.vector_store %arg8[%swap3A_118, %swap3A_119], %shift_right_logical3A_116 {strides = array<i32>} : memref<4x128xi32, #tpu.memory_space<vmem>>, vector<16xi32>,
    %get3A_121 = arith.constant 1 : i32
    %get3A_122 = arith.index_cast %get3A_121 : i32 to index
    %get3A_123 = arith.constant 32 : index
    %get3A_124 = tpu.vector_load %arg7[%get3A_122, %get3A_123] {strides = array<i32>} : memref<4x128xi32, #tpu.memory_space<vmem>>, vector<16xi32>,
    %shift_right_logical3A_125 = arith.constant 4 : i32
    %shift_right_logical3A_126 = vector.broadcast %shift_right_logical3A_125 : i32 to vector<16xi32>
    %shift_right_logical3A_127 = arith.shrui %get3A_124, %shift_right_logical3A_126 : vector<16xi32>
    %swap3A_128 = arith.constant 1 : i32
    %swap3A_129 = arith.index_cast %swap3A_128 : i32 to index
    %swap3A_130 = arith.constant 32 : index
    %swap3A_131 = tpu.vector_load %arg8[%swap3A_129, %swap3A_130] {strides = array<i32>} : memref<4x128xi32, #tpu.memory_space<vmem>>, vector<16xi32>,
    tpu.vector_store %arg8[%swap3A_129, %swap3A_130], %shift_right_logical3A_127 {strides = array<i32>} : memref<4x128xi32, #tpu.memory_space<vmem>>, vector<16xi32>,
    %get3A_132 = arith.constant 1 : i32
    %get3A_133 = arith.index_cast %get3A_132 : i32 to index
    %get3A_134 = arith.constant 48 : index
    %get3A_135 = tpu.vector_load %arg7[%get3A_133, %get3A_134] {strides = array<i32>} : memref<4x128xi32, #tpu.memory_space<vmem>>, vector<16xi32>,
    %shift_right_logical3A_136 = arith.constant 4 : i32
    %shift_right_logical3A_137 = vector.broadcast %shift_right_logical3A_136 : i32 to vector<16xi32>
    %shift_right_logical3A_138 = arith.shrui %get3A_135, %shift_right_logical3A_137 : vector<16xi32>
    %swap3A_139 = arith.constant 1 : i32
    %swap3A_140 = arith.index_cast %swap3A_139 : i32 to index
    %swap3A_141 = arith.constant 48 : index
    %swap3A_142 = tpu.vector_load %arg8[%swap3A_140, %swap3A_141] {strides = array<i32>} : memref<4x128xi32, #tpu.memory_space<vmem>>, vector<16xi32>,
    tpu.vector_store %arg8[%swap3A_140, %swap3A_141], %shift_right_logical3A_138 {strides = array<i32>} : memref<4x128xi32, #tpu.memory_space<vmem>>, vector<16xi32>,
    %get3A_143 = arith.constant 1 : i32
    %get3A_144 = arith.index_cast %get3A_143 : i32 to index
    %get3A_145 = arith.constant 64 : index
    %get3A_146 = tpu.vector_load %arg7[%get3A_144, %get3A_145] {strides = array<i32>} : memref<4x128xi32, #tpu.memory_space<vmem>>, vector<16xi32>,
    %shift_right_logical3A_147 = arith.constant 4 : i32
    %shift_right_logical3A_148 = vector.broadcast %shift_right_logical3A_147 : i32 to vector<16xi32>
    %shift_right_logical3A_149 = arith.shrui %get3A_146, %shift_right_logical3A_148 : vector<16xi32>
    %swap3A_150 = arith.constant 1 : i32
    %swap3A_151 = arith.index_cast %swap3A_150 : i32 to index
    %swap3A_152 = arith.constant 64 : index
    %swap3A_153 = tpu.vector_load %arg8[%swap3A_151, %swap3A_152] {strides = array<i32>} : memref<4x128xi32, #tpu.memory_space<vmem>>, vector<16xi32>,
    tpu.vector_store %arg8[%swap3A_151, %swap3A_152], %shift_right_logical3A_149 {strides = array<i32>} : memref<4x128xi32, #tpu.memory_space<vmem>>, vector<16xi32>,
    %get3A_154 = arith.constant 1 : i32
    %get3A_155 = arith.index_cast %get3A_154 : i32 to index
    %get3A_156 = arith.constant 80 : index
    %get3A_157 = tpu.vector_load %arg7[%get3A_155, %get3A_156] {strides = array<i32>} : memref<4x128xi32, #tpu.memory_space<vmem>>, vector<16xi32>,
    %shift_right_logical3A_158 = arith.constant 4 : i32
    %shift_right_logical3A_159 = vector.broadcast %shift_right_logical3A_158 : i32 to vector<16xi32>
    %shift_right_logical3A_160 = arith.shrui %get3A_157, %shift_right_logical3A_159 : vector<16xi32>
    %swap3A_161 = arith.constant 1 : i32
    %swap3A_162 = arith.index_cast %swap3A_161 : i32 to index
    %swap3A_163 = arith.constant 80 : index
    %swap3A_164 = tpu.vector_load %arg8[%swap3A_162, %swap3A_163] {strides = array<i32>} : memref<4x128xi32, #tpu.memory_space<vmem>>, vector<16xi32>,
    tpu.vector_store %arg8[%swap3A_162, %swap3A_163], %shift_right_logical3A_160 {strides = array<i32>} : memref<4x128xi32, #tpu.memory_space<vmem>>, vector<16xi32>,
    %get3A_165 = arith.constant 1 : i32
    %get3A_166 = arith.index_cast %get3A_165 : i32 to index
    %get3A_167 = arith.constant 96 : index
    %get3A_168 = tpu.vector_load %arg7[%get3A_166, %get3A_167] {strides = array<i32>} : memref<4x128xi32, #tpu.memory_space<vmem>>, vector<16xi32>,
    %shift_right_logical3A_169 = arith.constant 4 : i32
    %shift_right_logical3A_170 = vector.broadcast %shift_right_logical3A_169 : i32 to vector<16xi32>
    %shift_right_logical3A_171 = arith.shrui %get3A_168, %shift_right_logical3A_170 : vector<16xi32>
    %swap3A_172 = arith.constant 1 : i32
    %swap3A_173 = arith.index_cast %swap3A_172 : i32 to index
    %swap3A_174 = arith.constant 96 : index
    %swap3A_175 = tpu.vector_load %arg8[%swap3A_173, %swap3A_174] {strides = array<i32>} : memref<4x128xi32, #tpu.memory_space<vmem>>, vector<16xi32>,
    tpu.vector_store %arg8[%swap3A_173, %swap3A_174], %shift_right_logical3A_171 {strides = array<i32>} : memref<4x128xi32, #tpu.memory_space<vmem>>, vector<16xi32>,
    %get3A_176 = arith.constant 1 : i32
    %get3A_177 = arith.index_cast %get3A_176 : i32 to index
    %get3A_178 = arith.constant 112 : index
    %get3A_179 = tpu.vector_load %arg7[%get3A_177, %get3A_178] {strides = array<i32>} : memref<4x128xi32, #tpu.memory_space<vmem>>, vector<16xi32>,
    %shift_right_logical3A_180 = arith.constant 4 : i32
    %shift_right_logical3A_181 = vector.broadcast %shift_right_logical3A_180 : i32 to vector<16xi32>
    %shift_right_logical3A_182 = arith.shrui %get3A_179, %shift_right_logical3A_181 : vector<16xi32>
    %swap3A_183 = arith.constant 1 : i32
    %swap3A_184 = arith.index_cast %swap3A_183 : i32 to index
    %swap3A_185 = arith.constant 112 : index
    %swap3A_186 = tpu.vector_load %arg8[%swap3A_184, %swap3A_185] {strides = array<i32>} : memref<4x128xi32, #tpu.memory_space<vmem>>, vector<16xi32>,
    tpu.vector_store %arg8[%swap3A_184, %swap3A_185], %shift_right_logical3A_182 {strides = array<i32>} : memref<4x128xi32, #tpu.memory_space<vmem>>, vector<16xi32>,
    %get3A_187 = arith.constant 2 : i32
    %get3A_188 = arith.index_cast %get3A_187 : i32 to index
    %get3A_189 = arith.constant 0 : index
    %get3A_190 = tpu.vector_load %arg7[%get3A_188, %get3A_189] {strides = array<i32>} : memref<4x128xi32, #tpu.memory_space<vmem>>, vector<16xi32>,
    %shift_right_logical3A_191 = arith.constant 4 : i32
    %shift_right_logical3A_192 = vector.broadcast %shift_right_logical3A_191 : i32 to vector<16xi32>
    %shift_right_logical3A_193 = arith.shrui %get3A_190, %shift_right_logical3A_192 : vector<16xi32>
    %swap3A_194 = arith.constant 2 : i32
    %swap3A_195 = arith.index_cast %swap3A_194 : i32 to index
    %swap3A_196 = arith.constant 0 : index
    %swap3A_197 = tpu.vector_load %arg8[%swap3A_195, %swap3A_196] {strides = array<i32>} : memref<4x128xi32, #tpu.memory_space<vmem>>, vector<16xi32>,
    tpu.vector_store %arg8[%swap3A_195, %swap3A_196], %shift_right_logical3A_193 {strides = array<i32>} : memref<4x128xi32, #tpu.memory_space<vmem>>, vector<16xi32>,
    %get3A_198 = arith.constant 2 : i32
    %get3A_199 = arith.index_cast %get3A_198 : i32 to index
    %get3A_200 = arith.constant 16 : index
    %get3A_201 = tpu.vector_load %arg7[%get3A_199, %get3A_200] {strides = array<i32>} : memref<4x128xi32, #tpu.memory_space<vmem>>, vector<16xi32>,
    %shift_right_logical3A_202 = arith.constant 4 : i32
    %shift_right_logical3A_203 = vector.broadcast %shift_right_logical3A_202 : i32 to vector<16xi32>
    %shift_right_logical3A_204 = arith.shrui %get3A_201, %shift_right_logical3A_203 : vector<16xi32>
    %swap3A_205 = arith.constant 2 : i32
    %swap3A_206 = arith.index_cast %swap3A_205 : i32 to index
    %swap3A_207 = arith.constant 16 : index
    %swap3A_208 = tpu.vector_load %arg8[%swap3A_206, %swap3A_207] {strides = array<i32>} : memref<4x128xi32, #tpu.memory_space<vmem>>, vector<16xi32>,
    tpu.vector_store %arg8[%swap3A_206, %swap3A_207], %shift_right_logical3A_204 {strides = array<i32>} : memref<4x128xi32, #tpu.memory_space<vmem>>, vector<16xi32>,
    %get3A_209 = arith.constant 2 : i32
    %get3A_210 = arith.index_cast %get3A_209 : i32 to index
    %get3A_211 = arith.constant 32 : index
    %get3A_212 = tpu.vector_load %arg7[%get3A_210, %get3A_211] {strides = array<i32>} : memref<4x128xi32, #tpu.memory_space<vmem>>, vector<16xi32>,
    %shift_right_logical3A_213 = arith.constant 4 : i32
    %shift_right_logical3A_214 = vector.broadcast %shift_right_logical3A_213 : i32 to vector<16xi32>
    %shift_right_logical3A_215 = arith.shrui %get3A_212, %shift_right_logical3A_214 : vector<16xi32>
    %swap3A_216 = arith.constant 2 : i32
    %swap3A_217 = arith.index_cast %swap3A_216 : i32 to index
    %swap3A_218 = arith.constant 32 : index
    %swap3A_219 = tpu.vector_load %arg8[%swap3A_217, %swap3A_218] {strides = array<i32>} : memref<4x128xi32, #tpu.memory_space<vmem>>, vector<16xi32>,
    tpu.vector_store %arg8[%swap3A_217, %swap3A_218], %shift_right_logical3A_215 {strides = array<i32>} : memref<4x128xi32, #tpu.memory_space<vmem>>, vector<16xi32>,
    %get3A_220 = arith.constant 2 : i32
    %get3A_221 = arith.index_cast %get3A_220 : i32 to index
    %get3A_222 = arith.constant 48 : index
    %get3A_223 = tpu.vector_load %arg7[%get3A_221, %get3A_222] {strides = array<i32>} : memref<4x128xi32, #tpu.memory_space<vmem>>, vector<16xi32>,
    %shift_right_logical3A_224 = arith.constant 4 : i32
    %shift_right_logical3A_225 = vector.broadcast %shift_right_logical3A_224 : i32 to vector<16xi32>
    %shift_right_logical3A_226 = arith.shrui %get3A_223, %shift_right_logical3A_225 : vector<16xi32>
    %swap3A_227 = arith.constant 2 : i32
    %swap3A_228 = arith.index_cast %swap3A_227 : i32 to index
    %swap3A_229 = arith.constant 48 : index
    %swap3A_230 = tpu.vector_load %arg8[%swap3A_228, %swap3A_229] {strides = array<i32>} : memref<4x128xi32, #tpu.memory_space<vmem>>, vector<16xi32>,
    tpu.vector_store %arg8[%swap3A_228, %swap3A_229], %shift_right_logical3A_226 {strides = array<i32>} : memref<4x128xi32, #tpu.memory_space<vmem>>, vector<16xi32>,
    %get3A_231 = arith.constant 2 : i32
    %get3A_232 = arith.index_cast %get3A_231 : i32 to index
    %get3A_233 = arith.constant 64 : index
    %get3A_234 = tpu.vector_load %arg7[%get3A_232, %get3A_233] {strides = array<i32>} : memref<4x128xi32, #tpu.memory_space<vmem>>, vector<16xi32>,
    %shift_right_logical3A_235 = arith.constant 4 : i32
    %shift_right_logical3A_236 = vector.broadcast %shift_right_logical3A_235 : i32 to vector<16xi32>
    %shift_right_logical3A_237 = arith.shrui %get3A_234, %shift_right_logical3A_236 : vector<16xi32>
    %swap3A_238 = arith.constant 2 : i32
    %swap3A_239 = arith.index_cast %swap3A_238 : i32 to index
    %swap3A_240 = arith.constant 64 : index
    %swap3A_241 = tpu.vector_load %arg8[%swap3A_239, %swap3A_240] {strides = array<i32>} : memref<4x128xi32, #tpu.memory_space<vmem>>, vector<16xi32>,
    tpu.vector_store %arg8[%swap3A_239, %swap3A_240], %shift_right_logical3A_237 {strides = array<i32>} : memref<4x128xi32, #tpu.memory_space<vmem>>, vector<16xi32>,
    %get3A_242 = arith.constant 2 : i32
    %get3A_243 = arith.index_cast %get3A_242 : i32 to index
    %get3A_244 = arith.constant 80 : index
    %get3A_245 = tpu.vector_load %arg7[%get3A_243, %get3A_244] {strides = array<i32>} : memref<4x128xi32, #tpu.memory_space<vmem>>, vector<16xi32>,
    %shift_right_logical3A_246 = arith.constant 4 : i32
    %shift_right_logical3A_247 = vector.broadcast %shift_right_logical3A_246 : i32 to vector<16xi32>
    %shift_right_logical3A_248 = arith.shrui %get3A_245, %shift_right_logical3A_247 : vector<16xi32>
    %swap3A_249 = arith.constant 2 : i32
    %swap3A_250 = arith.index_cast %swap3A_249 : i32 to index
    %swap3A_251 = arith.constant 80 : index
    %swap3A_252 = tpu.vector_load %arg8[%swap3A_250, %swap3A_251] {strides = array<i32>} : memref<4x128xi32, #tpu.memory_space<vmem>>, vector<16xi32>,
    tpu.vector_store %arg8[%swap3A_250, %swap3A_251], %shift_right_logical3A_248 {strides = array<i32>} : memref<4x128xi32, #tpu.memory_space<vmem>>, vector<16xi32>,
    %get3A_253 = arith.constant 2 : i32
    %get3A_254 = arith.index_cast %get3A_253 : i32 to index
    %get3A_255 = arith.constant 96 : index
    %get3A_256 = tpu.vector_load %arg7[%get3A_254, %get3A_255] {strides = array<i32>} : memref<4x128xi32, #tpu.memory_space<vmem>>, vector<16xi32>,
    %shift_right_logical3A_257 = arith.constant 4 : i32
    %shift_right_logical3A_258 = vector.broadcast %shift_right_logical3A_257 : i32 to vector<16xi32>
    %shift_right_logical3A_259 = arith.shrui %get3A_256, %shift_right_logical3A_258 : vector<16xi32>
    %swap3A_260 = arith.constant 2 : i32
    %swap3A_261 = arith.index_cast %swap3A_260 : i32 to index
    %swap3A_262 = arith.constant 96 : index
    %swap3A_263 = tpu.vector_load %arg8[%swap3A_261, %swap3A_262] {strides = array<i32>} : memref<4x128xi32, #tpu.memory_space<vmem>>, vector<16xi32>,
    tpu.vector_store %arg8[%swap3A_261, %swap3A_262], %shift_right_logical3A_259 {strides = array<i32>} : memref<4x128xi32, #tpu.memory_space<vmem>>, vector<16xi32>,
    %get3A_264 = arith.constant 2 : i32
    %get3A_265 = arith.index_cast %get3A_264 : i32 to index
    %get3A_266 = arith.constant 112 : index
    %get3A_267 = tpu.vector_load %arg7[%get3A_265, %get3A_266] {strides = array<i32>} : memref<4x128xi32, #tpu.memory_space<vmem>>, vector<16xi32>,
    %shift_right_logical3A_268 = arith.constant 4 : i32
    %shift_right_logical3A_269 = vector.broadcast %shift_right_logical3A_268 : i32 to vector<16xi32>
    %shift_right_logical3A_270 = arith.shrui %get3A_267, %shift_right_logical3A_269 : vector<16xi32>
    %swap3A_271 = arith.constant 2 : i32
    %swap3A_272 = arith.index_cast %swap3A_271 : i32 to index
    %swap3A_273 = arith.constant 112 : index
    %swap3A_274 = tpu.vector_load %arg8[%swap3A_272, %swap3A_273] {strides = array<i32>} : memref<4x128xi32, #tpu.memory_space<vmem>>, vector<16xi32>,
    tpu.vector_store %arg8[%swap3A_272, %swap3A_273], %shift_right_logical3A_270 {strides = array<i32>} : memref<4x128xi32, #tpu.memory_space<vmem>>, vector<16xi32>,
    %get3A_275 = arith.constant 3 : i32
    %get3A_276 = arith.index_cast %get3A_275 : i32 to index
    %get3A_277 = arith.constant 0 : index
    %get3A_278 = tpu.vector_load %arg7[%get3A_276, %get3A_277] {strides = array<i32>} : memref<4x128xi32, #tpu.memory_space<vmem>>, vector<16xi32>,
    %shift_right_logical3A_279 = arith.constant 4 : i32
    %shift_right_logical3A_280 = vector.broadcast %shift_right_logical3A_279 : i32 to vector<16xi32>
    %shift_right_logical3A_281 = arith.shrui %get3A_278, %shift_right_logical3A_280 : vector<16xi32>
    %swap3A_282 = arith.constant 3 : i32
    %swap3A_283 = arith.index_cast %swap3A_282 : i32 to index
    %swap3A_284 = arith.constant 0 : index
    %swap3A_285 = tpu.vector_load %arg8[%swap3A_283, %swap3A_284] {strides = array<i32>} : memref<4x128xi32, #tpu.memory_space<vmem>>, vector<16xi32>,
    tpu.vector_store %arg8[%swap3A_283, %swap3A_284], %shift_right_logical3A_281 {strides = array<i32>} : memref<4x128xi32, #tpu.memory_space<vmem>>, vector<16xi32>,
    %get3A_286 = arith.constant 3 : i32
    %get3A_287 = arith.index_cast %get3A_286 : i32 to index
    %get3A_288 = arith.constant 16 : index
    %get3A_289 = tpu.vector_load %arg7[%get3A_287, %get3A_288] {strides = array<i32>} : memref<4x128xi32, #tpu.memory_space<vmem>>, vector<16xi32>,
    %shift_right_logical3A_290 = arith.constant 4 : i32
    %shift_right_logical3A_291 = vector.broadcast %shift_right_logical3A_290 : i32 to vector<16xi32>
    %shift_right_logical3A_292 = arith.shrui %get3A_289, %shift_right_logical3A_291 : vector<16xi32>
    %swap3A_293 = arith.constant 3 : i32
    %swap3A_294 = arith.index_cast %swap3A_293 : i32 to index
    %swap3A_295 = arith.constant 16 : index
    %swap3A_296 = tpu.vector_load %arg8[%swap3A_294, %swap3A_295] {strides = array<i32>} : memref<4x128xi32, #tpu.memory_space<vmem>>, vector<16xi32>,
    tpu.vector_store %arg8[%swap3A_294, %swap3A_295], %shift_right_logical3A_292 {strides = array<i32>} : memref<4x128xi32, #tpu.memory_space<vmem>>, vector<16xi32>,
    %get3A_297 = arith.constant 3 : i32
    %get3A_298 = arith.index_cast %get3A_297 : i32 to index
    %get3A_299 = arith.constant 32 : index
    %get3A_300 = tpu.vector_load %arg7[%get3A_298, %get3A_299] {strides = array<i32>} : memref<4x128xi32, #tpu.memory_space<vmem>>, vector<16xi32>,
    %shift_right_logical3A_301 = arith.constant 4 : i32
    %shift_right_logical3A_302 = vector.broadcast %shift_right_logical3A_301 : i32 to vector<16xi32>
    %shift_right_logical3A_303 = arith.shrui %get3A_300, %shift_right_logical3A_302 : vector<16xi32>
    %swap3A_304 = arith.constant 3 : i32
    %swap3A_305 = arith.index_cast %swap3A_304 : i32 to index
    %swap3A_306 = arith.constant 32 : index
    %swap3A_307 = tpu.vector_load %arg8[%swap3A_305, %swap3A_306] {strides = array<i32>} : memref<4x128xi32, #tpu.memory_space<vmem>>, vector<16xi32>,
    tpu.vector_store %arg8[%swap3A_305, %swap3A_306], %shift_right_logical3A_303 {strides = array<i32>} : memref<4x128xi32, #tpu.memory_space<vmem>>, vector<16xi32>,
    %get3A_308 = arith.constant 3 : i32
    %get3A_309 = arith.index_cast %get3A_308 : i32 to index
    %get3A_310 = arith.constant 48 : index
    %get3A_311 = tpu.vector_load %arg7[%get3A_309, %get3A_310] {strides = array<i32>} : memref<4x128xi32, #tpu.memory_space<vmem>>, vector<16xi32>,
    %shift_right_logical3A_312 = arith.constant 4 : i32
    %shift_right_logical3A_313 = vector.broadcast %shift_right_logical3A_312 : i32 to vector<16xi32>
    %shift_right_logical3A_314 = arith.shrui %get3A_311, %shift_right_logical3A_313 : vector<16xi32>
    %swap3A_315 = arith.constant 3 : i32
    %swap3A_316 = arith.index_cast %swap3A_315 : i32 to index
    %swap3A_317 = arith.constant 48 : index
    %swap3A_318 = tpu.vector_load %arg8[%swap3A_316, %swap3A_317] {strides = array<i32>} : memref<4x128xi32, #tpu.memory_space<vmem>>, vector<16xi32>,
    tpu.vector_store %arg8[%swap3A_316, %swap3A_317], %shift_right_logical3A_314 {strides = array<i32>} : memref<4x128xi32, #tpu.memory_space<vmem>>, vector<16xi32>,
    %get3A_319 = arith.constant 3 : i32
    %get3A_320 = arith.index_cast %get3A_319 : i32 to index
    %get3A_321 = arith.constant 64 : index
    %get3A_322 = tpu.vector_load %arg7[%get3A_320, %get3A_321] {strides = array<i32>} : memref<4x128xi32, #tpu.memory_space<vmem>>, vector<16xi32>,
    %shift_right_logical3A_323 = arith.constant 4 : i32
    %shift_right_logical3A_324 = vector.broadcast %shift_right_logical3A_323 : i32 to vector<16xi32>
    %shift_right_logical3A_325 = arith.shrui %get3A_322, %shift_right_logical3A_324 : vector<16xi32>
    %swap3A_326 = arith.constant 3 : i32
    %swap3A_327 = arith.index_cast %swap3A_326 : i32 to index
    %swap3A_328 = arith.constant 64 : index
    %swap3A_329 = tpu.vector_load %arg8[%swap3A_327, %swap3A_328] {strides = array<i32>} : memref<4x128xi32, #tpu.memory_space<vmem>>, vector<16xi32>,
    tpu.vector_store %arg8[%swap3A_327, %swap3A_328], %shift_right_logical3A_325 {strides = array<i32>} : memref<4x128xi32, #tpu.memory_space<vmem>>, vector<16xi32>,
    %get3A_330 = arith.constant 3 : i32
    %get3A_331 = arith.index_cast %get3A_330 : i32 to index
    %get3A_332 = arith.constant 80 : index
    %get3A_333 = tpu.vector_load %arg7[%get3A_331, %get3A_332] {strides = array<i32>} : memref<4x128xi32, #tpu.memory_space<vmem>>, vector<16xi32>,
    %shift_right_logical3A_334 = arith.constant 4 : i32
    %shift_right_logical3A_335 = vector.broadcast %shift_right_logical3A_334 : i32 to vector<16xi32>
    %shift_right_logical3A_336 = arith.shrui %get3A_333, %shift_right_logical3A_335 : vector<16xi32>
    %swap3A_337 = arith.constant 3 : i32
    %swap3A_338 = arith.index_cast %swap3A_337 : i32 to index
    %swap3A_339 = arith.constant 80 : index
    %swap3A_340 = tpu.vector_load %arg8[%swap3A_338, %swap3A_339] {strides = array<i32>} : memref<4x128xi32, #tpu.memory_space<vmem>>, vector<16xi32>,
    tpu.vector_store %arg8[%swap3A_338, %swap3A_339], %shift_right_logical3A_336 {strides = array<i32>} : memref<4x128xi32, #tpu.memory_space<vmem>>, vector<16xi32>,
    %get3A_341 = arith.constant 3 : i32
    %get3A_342 = arith.index_cast %get3A_341 : i32 to index
    %get3A_343 = arith.constant 96 : index
    %get3A_344 = tpu.vector_load %arg7[%get3A_342, %get3A_343] {strides = array<i32>} : memref<4x128xi32, #tpu.memory_space<vmem>>, vector<16xi32>,
    %shift_right_logical3A_345 = arith.constant 4 : i32
    %shift_right_logical3A_346 = vector.broadcast %shift_right_logical3A_345 : i32 to vector<16xi32>
    %shift_right_logical3A_347 = arith.shrui %get3A_344, %shift_right_logical3A_346 : vector<16xi32>
    %swap3A_348 = arith.constant 3 : i32
    %swap3A_349 = arith.index_cast %swap3A_348 : i32 to index
    %swap3A_350 = arith.constant 96 : index
    %swap3A_351 = tpu.vector_load %arg8[%swap3A_349, %swap3A_350] {strides = array<i32>} : memref<4x128xi32, #tpu.memory_space<vmem>>, vector<16xi32>,
    tpu.vector_store %arg8[%swap3A_349, %swap3A_350], %shift_right_logical3A_347 {strides = array<i32>} : memref<4x128xi32, #tpu.memory_space<vmem>>, vector<16xi32>,
    %get3A_352 = arith.constant 3 : i32
    %get3A_353 = arith.index_cast %get3A_352 : i32 to index
    %get3A_354 = arith.constant 112 : index
    %get3A_355 = tpu.vector_load %arg7[%get3A_353, %get3A_354] {strides = array<i32>} : memref<4x128xi32, #tpu.memory_space<vmem>>, vector<16xi32>,
    %shift_right_logical3A_356 = arith.constant 4 : i32
    %shift_right_logical3A_357 = vector.broadcast %shift_right_logical3A_356 : i32 to vector<16xi32>
    %shift_right_logical3A_358 = arith.shrui %get3A_355, %shift_right_logical3A_357 : vector<16xi32>
    %swap3A_359 = arith.constant 3 : i32
    %swap3A_360 = arith.index_cast %swap3A_359 : i32 to index
    %swap3A_361 = arith.constant 112 : index
    %swap3A_362 = tpu.vector_load %arg8[%swap3A_360, %swap3A_361] {strides = array<i32>} : memref<4x128xi32, #tpu.memory_space<vmem>>, vector<16xi32>,
    tpu.vector_store %arg8[%swap3A_360, %swap3A_361], %shift_right_logical3A_358 {strides = array<i32>} : memref<4x128xi32, #tpu.memory_space<vmem>>, vector<16xi32>,
    %dma_start3A = arith.constant 0 : i32
    %dma_start3A_363 = arith.constant 0 : i32
    %dma_start3A_364 = arith.constant 0 : i32
    %dma_start3A_365 = tpu.memref_slice %arg9[%dma_start3A_363, %dma_start3A_364] : memref<512x64xf32, #tpu.memory_space<vmem>> -> memref<128x64xf32, #tpu.memory_space<vmem>>
    %dma_start3A_366 = arith.constant 0 : i32
    %dma_start3A_367 = tpu.memref_slice %arg7[%dma_start3A, %dma_start3A_366] : memref<4x128xi32, #tpu.memory_space<vmem>> -> memref<1x128xi32, #tpu.memory_space<vmem>>
    %dma_start3A_368 = tpu.memref_squeeze %dma_start3A_367 : memref<1x128xi32, #tpu.memory_space<vmem>> -> memref<128xi32, #tpu.memory_space<vmem>>
    %dma_start3A_369 = arith.constant 0 : i32
    %dma_start3A_370 = arith.constant 0 : i32
    %dma_start3A_371 = tpu.memref_slice %arg3[%dma_start3A_369, %dma_start3A_370] : memref<1000000x64xf32, #tpu.memory_space<hbm>> -> memref<1000000x64xf32, #tpu.memory_space<hbm>>
    tpu.enqueue_indirect_dma source(%dma_start3A_371 : memref<1000000x64xf32, #tpu.memory_space<hbm>>) target(%dma_start3A_365 : memref<128x64xf32, #tpu.memory_space<vmem>>) offsets(%dma_start3A_368 : memref<128xi32, #tpu.memory_space<vmem>>) semaphore(%arg12 : memref<!tpu.dma_semaphore, #tpu.memory_space<semaphore_mem>>)
    %dma_start3A_372 = arith.constant 0 : i32
    %dma_start3A_373 = arith.constant 0 : i32
    %dma_start3A_374 = arith.constant 0 : i32
    %dma_start3A_375 = tpu.memref_slice %arg10[%dma_start3A_373, %dma_start3A_374] : memref<512x16xf32, #tpu.memory_space<vmem>> -> memref<128x16xf32, #tpu.memory_space<vmem>>
    %dma_start3A_376 = arith.constant 0 : i32
    %dma_start3A_377 = tpu.memref_slice %arg8[%dma_start3A_372, %dma_start3A_376] : memref<4x128xi32, #tpu.memory_space<vmem>> -> memref<1x128xi32, #tpu.memory_space<vmem>>
    %dma_start3A_378 = tpu.memref_squeeze %dma_start3A_377 : memref<1x128xi32, #tpu.memory_space<vmem>> -> memref<128xi32, #tpu.memory_space<vmem>>
    %dma_start3A_379 = arith.constant 0 : i32
    %dma_start3A_380 = arith.constant 0 : i32
    %dma_start3A_381 = tpu.memref_slice %arg4[%dma_start3A_379, %dma_start3A_380] : memref<62500x16xf32, #tpu.memory_space<hbm>> -> memref<62500x16xf32, #tpu.memory_space<hbm>>
    tpu.enqueue_indirect_dma source(%dma_start3A_381 : memref<62500x16xf32, #tpu.memory_space<hbm>>) target(%dma_start3A_375 : memref<128x16xf32, #tpu.memory_space<vmem>>) offsets(%dma_start3A_378 : memref<128xi32, #tpu.memory_space<vmem>>) semaphore(%arg13 : memref<!tpu.dma_semaphore, #tpu.memory_space<semaphore_mem>>)
    %dma_start3A_382 = arith.constant 1 : i32
    %dma_start3A_383 = arith.constant 128 : i32
    %dma_start3A_384 = arith.constant 0 : i32
    %dma_start3A_385 = tpu.memref_slice %arg9[%dma_start3A_383, %dma_start3A_384] : memref<512x64xf32, #tpu.memory_space<vmem>> -> memref<128x64xf32, #tpu.memory_space<vmem>>
    %dma_start3A_386 = arith.constant 0 : i32
    %dma_start3A_387 = tpu.memref_slice %arg7[%dma_start3A_382, %dma_start3A_386] : memref<4x128xi32, #tpu.memory_space<vmem>> -> memref<1x128xi32, #tpu.memory_space<vmem>>
    %dma_start3A_388 = tpu.memref_squeeze %dma_start3A_387 : memref<1x128xi32, #tpu.memory_space<vmem>> -> memref<128xi32, #tpu.memory_space<vmem>>
    %dma_start3A_389 = arith.constant 0 : i32
    %dma_start3A_390 = arith.constant 0 : i32
    %dma_start3A_391 = tpu.memref_slice %arg3[%dma_start3A_389, %dma_start3A_390] : memref<1000000x64xf32, #tpu.memory_space<hbm>> -> memref<1000000x64xf32, #tpu.memory_space<hbm>>
    tpu.enqueue_indirect_dma source(%dma_start3A_391 : memref<1000000x64xf32, #tpu.memory_space<hbm>>) target(%dma_start3A_385 : memref<128x64xf32, #tpu.memory_space<vmem>>) offsets(%dma_start3A_388 : memref<128xi32, #tpu.memory_space<vmem>>) semaphore(%arg12 : memref<!tpu.dma_semaphore, #tpu.memory_space<semaphore_mem>>)
    %dma_start3A_392 = arith.constant 1 : i32
    %dma_start3A_393 = arith.constant 128 : i32
    %dma_start3A_394 = arith.constant 0 : i32
    %dma_start3A_395 = tpu.memref_slice %arg10[%dma_start3A_393, %dma_start3A_394] : memref<512x16xf32, #tpu.memory_space<vmem>> -> memref<128x16xf32, #tpu.memory_space<vmem>>
    %dma_start3A_396 = arith.constant 0 : i32
    %dma_start3A_397 = tpu.memref_slice %arg8[%dma_start3A_392, %dma_start3A_396] : memref<4x128xi32, #tpu.memory_space<vmem>> -> memref<1x128xi32, #tpu.memory_space<vmem>>
    %dma_start3A_398 = tpu.memref_squeeze %dma_start3A_397 : memref<1x128xi32, #tpu.memory_space<vmem>> -> memref<128xi32, #tpu.memory_space<vmem>>
    %dma_start3A_399 = arith.constant 0 : i32
    %dma_start3A_400 = arith.constant 0 : i32
    %dma_start3A_401 = tpu.memref_slice %arg4[%dma_start3A_399, %dma_start3A_400] : memref<62500x16xf32, #tpu.memory_space<hbm>> -> memref<62500x16xf32, #tpu.memory_space<hbm>>
    tpu.enqueue_indirect_dma source(%dma_start3A_401 : memref<62500x16xf32, #tpu.memory_space<hbm>>) target(%dma_start3A_395 : memref<128x16xf32, #tpu.memory_space<vmem>>) offsets(%dma_start3A_398 : memref<128xi32, #tpu.memory_space<vmem>>) semaphore(%arg13 : memref<!tpu.dma_semaphore, #tpu.memory_space<semaphore_mem>>)
    %dma_start3A_402 = arith.constant 2 : i32
    %dma_start3A_403 = arith.constant 256 : i32
    %dma_start3A_404 = arith.constant 0 : i32
    %dma_start3A_405 = tpu.memref_slice %arg9[%dma_start3A_403, %dma_start3A_404] : memref<512x64xf32, #tpu.memory_space<vmem>> -> memref<128x64xf32, #tpu.memory_space<vmem>>
    %dma_start3A_406 = arith.constant 0 : i32
    %dma_start3A_407 = tpu.memref_slice %arg7[%dma_start3A_402, %dma_start3A_406] : memref<4x128xi32, #tpu.memory_space<vmem>> -> memref<1x128xi32, #tpu.memory_space<vmem>>
    %dma_start3A_408 = tpu.memref_squeeze %dma_start3A_407 : memref<1x128xi32, #tpu.memory_space<vmem>> -> memref<128xi32, #tpu.memory_space<vmem>>
    %dma_start3A_409 = arith.constant 0 : i32
    %dma_start3A_410 = arith.constant 0 : i32
    %dma_start3A_411 = tpu.memref_slice %arg3[%dma_start3A_409, %dma_start3A_410] : memref<1000000x64xf32, #tpu.memory_space<hbm>> -> memref<1000000x64xf32, #tpu.memory_space<hbm>>
    tpu.enqueue_indirect_dma source(%dma_start3A_411 : memref<1000000x64xf32, #tpu.memory_space<hbm>>) target(%dma_start3A_405 : memref<128x64xf32, #tpu.memory_space<vmem>>) offsets(%dma_start3A_408 : memref<128xi32, #tpu.memory_space<vmem>>) semaphore(%arg12 : memref<!tpu.dma_semaphore, #tpu.memory_space<semaphore_mem>>)
    %dma_start3A_412 = arith.constant 2 : i32
    %dma_start3A_413 = arith.constant 256 : i32
    %dma_start3A_414 = arith.constant 0 : i32
    %dma_start3A_415 = tpu.memref_slice %arg10[%dma_start3A_413, %dma_start3A_414] : memref<512x16xf32, #tpu.memory_space<vmem>> -> memref<128x16xf32, #tpu.memory_space<vmem>>
    %dma_start3A_416 = arith.constant 0 : i32
    %dma_start3A_417 = tpu.memref_slice %arg8[%dma_start3A_412, %dma_start3A_416] : memref<4x128xi32, #tpu.memory_space<vmem>> -> memref<1x128xi32, #tpu.memory_space<vmem>>
    %dma_start3A_418 = tpu.memref_squeeze %dma_start3A_417 : memref<1x128xi32, #tpu.memory_space<vmem>> -> memref<128xi32, #tpu.memory_space<vmem>>
    %dma_start3A_419 = arith.constant 0 : i32
    %dma_start3A_420 = arith.constant 0 : i32
    %dma_start3A_421 = tpu.memref_slice %arg4[%dma_start3A_419, %dma_start3A_420] : memref<62500x16xf32, #tpu.memory_space<hbm>> -> memref<62500x16xf32, #tpu.memory_space<hbm>>
    tpu.enqueue_indirect_dma source(%dma_start3A_421 : memref<62500x16xf32, #tpu.memory_space<hbm>>) target(%dma_start3A_415 : memref<128x16xf32, #tpu.memory_space<vmem>>) offsets(%dma_start3A_418 : memref<128xi32, #tpu.memory_space<vmem>>) semaphore(%arg13 : memref<!tpu.dma_semaphore, #tpu.memory_space<semaphore_mem>>)
    %dma_start3A_422 = arith.constant 3 : i32
    %dma_start3A_423 = arith.constant 384 : i32
    %dma_start3A_424 = arith.constant 0 : i32
    %dma_start3A_425 = tpu.memref_slice %arg9[%dma_start3A_423, %dma_start3A_424] : memref<512x64xf32, #tpu.memory_space<vmem>> -> memref<128x64xf32, #tpu.memory_space<vmem>>
    %dma_start3A_426 = arith.constant 0 : i32
    %dma_start3A_427 = tpu.memref_slice %arg7[%dma_start3A_422, %dma_start3A_426] : memref<4x128xi32, #tpu.memory_space<vmem>> -> memref<1x128xi32, #tpu.memory_space<vmem>>
    %dma_start3A_428 = tpu.memref_squeeze %dma_start3A_427 : memref<1x128xi32, #tpu.memory_space<vmem>> -> memref<128xi32, #tpu.memory_space<vmem>>
    %dma_start3A_429 = arith.constant 0 : i32
    %dma_start3A_430 = arith.constant 0 : i32
    %dma_start3A_431 = tpu.memref_slice %arg3[%dma_start3A_429, %dma_start3A_430] : memref<1000000x64xf32, #tpu.memory_space<hbm>> -> memref<1000000x64xf32, #tpu.memory_space<hbm>>
    tpu.enqueue_indirect_dma source(%dma_start3A_431 : memref<1000000x64xf32, #tpu.memory_space<hbm>>) target(%dma_start3A_425 : memref<128x64xf32, #tpu.memory_space<vmem>>) offsets(%dma_start3A_428 : memref<128xi32, #tpu.memory_space<vmem>>) semaphore(%arg12 : memref<!tpu.dma_semaphore, #tpu.memory_space<semaphore_mem>>)
    %dma_start3A_432 = arith.constant 3 : i32
    %dma_start3A_433 = arith.constant 384 : i32
    %dma_start3A_434 = arith.constant 0 : i32
    %dma_start3A_435 = tpu.memref_slice %arg10[%dma_start3A_433, %dma_start3A_434] : memref<512x16xf32, #tpu.memory_space<vmem>> -> memref<128x16xf32, #tpu.memory_space<vmem>>
    %dma_start3A_436 = arith.constant 0 : i32
    %dma_start3A_437 = tpu.memref_slice %arg8[%dma_start3A_432, %dma_start3A_436] : memref<4x128xi32, #tpu.memory_space<vmem>> -> memref<1x128xi32, #tpu.memory_space<vmem>>
    %dma_start3A_438 = tpu.memref_squeeze %dma_start3A_437 : memref<1x128xi32, #tpu.memory_space<vmem>> -> memref<128xi32, #tpu.memory_space<vmem>>
    %dma_start3A_439 = arith.constant 0 : i32
    %dma_start3A_440 = arith.constant 0 : i32
    %dma_start3A_441 = tpu.memref_slice %arg4[%dma_start3A_439, %dma_start3A_440] : memref<62500x16xf32, #tpu.memory_space<hbm>> -> memref<62500x16xf32, #tpu.memory_space<hbm>>
    tpu.enqueue_indirect_dma source(%dma_start3A_441 : memref<62500x16xf32, #tpu.memory_space<hbm>>) target(%dma_start3A_435 : memref<128x16xf32, #tpu.memory_space<vmem>>) offsets(%dma_start3A_438 : memref<128xi32, #tpu.memory_space<vmem>>) semaphore(%arg13 : memref<!tpu.dma_semaphore, #tpu.memory_space<semaphore_mem>>)
    %dma_wait3A = arith.constant 0 : i32
    %dma_wait3A_442 = arith.constant 0 : i32
    %dma_wait3A_443 = arith.constant 0 : i32
    %dma_wait3A_444 = tpu.memref_slice %arg9[%dma_wait3A_442, %dma_wait3A_443] : memref<512x64xf32, #tpu.memory_space<vmem>> -> memref<128x64xf32, #tpu.memory_space<vmem>>
    %dma_wait3A_445 = arith.constant 0 : i32
    %dma_wait3A_446 = tpu.memref_slice %arg7[%dma_wait3A, %dma_wait3A_445] : memref<4x128xi32, #tpu.memory_space<vmem>> -> memref<1x128xi32, #tpu.memory_space<vmem>>
    %dma_wait3A_447 = tpu.memref_squeeze %dma_wait3A_446 : memref<1x128xi32, #tpu.memory_space<vmem>> -> memref<128xi32, #tpu.memory_space<vmem>>
    %dma_wait3A_448 = arith.constant 0 : i32
    %dma_wait3A_449 = arith.constant 0 : i32
    %dma_wait3A_450 = tpu.memref_slice %arg3[%dma_wait3A_448, %dma_wait3A_449] : memref<1000000x64xf32, #tpu.memory_space<hbm>> -> memref<1000000x64xf32, #tpu.memory_space<hbm>>
    tpu.wait_indirect_dma semaphore(%arg12 : memref<!tpu.dma_semaphore, #tpu.memory_space<semaphore_mem>>) src(%dma_wait3A_450 : memref<1000000x64xf32, #tpu.memory_space<hbm>>) dst(%dma_wait3A_444 : memref<128x64xf32, #tpu.memory_space<vmem>>)
    %dma_wait3A_451 = arith.constant 0 : i32
    %dma_wait3A_452 = arith.constant 0 : i32
    %dma_wait3A_453 = arith.constant 0 : i32
    %dma_wait3A_454 = tpu.memref_slice %arg10[%dma_wait3A_452, %dma_wait3A_453] : memref<512x16xf32, #tpu.memory_space<vmem>> -> memref<128x16xf32, #tpu.memory_space<vmem>>
    %dma_wait3A_455 = arith.constant 0 : i32
    %dma_wait3A_456 = tpu.memref_slice %arg8[%dma_wait3A_451, %dma_wait3A_455] : memref<4x128xi32, #tpu.memory_space<vmem>> -> memref<1x128xi32, #tpu.memory_space<vmem>>
    %dma_wait3A_457 = tpu.memref_squeeze %dma_wait3A_456 : memref<1x128xi32, #tpu.memory_space<vmem>> -> memref<128xi32, #tpu.memory_space<vmem>>
    %dma_wait3A_458 = arith.constant 0 : i32
    %dma_wait3A_459 = arith.constant 0 : i32
    %dma_wait3A_460 = tpu.memref_slice %arg4[%dma_wait3A_458, %dma_wait3A_459] : memref<62500x16xf32, #tpu.memory_space<hbm>> -> memref<62500x16xf32, #tpu.memory_space<hbm>>
    tpu.wait_indirect_dma semaphore(%arg13 : memref<!tpu.dma_semaphore, #tpu.memory_space<semaphore_mem>>) src(%dma_wait3A_460 : memref<62500x16xf32, #tpu.memory_space<hbm>>) dst(%dma_wait3A_454 : memref<128x16xf32, #tpu.memory_space<vmem>>)
    %dma_wait3A_461 = arith.constant 1 : i32
    %dma_wait3A_462 = arith.constant 128 : i32
    %dma_wait3A_463 = arith.constant 0 : i32
    %dma_wait3A_464 = tpu.memref_slice %arg9[%dma_wait3A_462, %dma_wait3A_463] : memref<512x64xf32, #tpu.memory_space<vmem>> -> memref<128x64xf32, #tpu.memory_space<vmem>>
    %dma_wait3A_465 = arith.constant 0 : i32
    %dma_wait3A_466 = tpu.memref_slice %arg7[%dma_wait3A_461, %dma_wait3A_465] : memref<4x128xi32, #tpu.memory_space<vmem>> -> memref<1x128xi32, #tpu.memory_space<vmem>>
    %dma_wait3A_467 = tpu.memref_squeeze %dma_wait3A_466 : memref<1x128xi32, #tpu.memory_space<vmem>> -> memref<128xi32, #tpu.memory_space<vmem>>
    %dma_wait3A_468 = arith.constant 0 : i32
    %dma_wait3A_469 = arith.constant 0 : i32
    %dma_wait3A_470 = tpu.memref_slice %arg3[%dma_wait3A_468, %dma_wait3A_469] : memref<1000000x64xf32, #tpu.memory_space<hbm>> -> memref<1000000x64xf32, #tpu.memory_space<hbm>>
    tpu.wait_indirect_dma semaphore(%arg12 : memref<!tpu.dma_semaphore, #tpu.memory_space<semaphore_mem>>) src(%dma_wait3A_470 : memref<1000000x64xf32, #tpu.memory_space<hbm>>) dst(%dma_wait3A_464 : memref<128x64xf32, #tpu.memory_space<vmem>>)
    %dma_wait3A_471 = arith.constant 1 : i32
    %dma_wait3A_472 = arith.constant 128 : i32
    %dma_wait3A_473 = arith.constant 0 : i32
    %dma_wait3A_474 = tpu.memref_slice %arg10[%dma_wait3A_472, %dma_wait3A_473] : memref<512x16xf32, #tpu.memory_space<vmem>> -> memref<128x16xf32, #tpu.memory_space<vmem>>
    %dma_wait3A_475 = arith.constant 0 : i32
    %dma_wait3A_476 = tpu.memref_slice %arg8[%dma_wait3A_471, %dma_wait3A_475] : memref<4x128xi32, #tpu.memory_space<vmem>> -> memref<1x128xi32, #tpu.memory_space<vmem>>
    %dma_wait3A_477 = tpu.memref_squeeze %dma_wait3A_476 : memref<1x128xi32, #tpu.memory_space<vmem>> -> memref<128xi32, #tpu.memory_space<vmem>>
    %dma_wait3A_478 = arith.constant 0 : i32
    %dma_wait3A_479 = arith.constant 0 : i32
    %dma_wait3A_480 = tpu.memref_slice %arg4[%dma_wait3A_478, %dma_wait3A_479] : memref<62500x16xf32, #tpu.memory_space<hbm>> -> memref<62500x16xf32, #tpu.memory_space<hbm>>
    tpu.wait_indirect_dma semaphore(%arg13 : memref<!tpu.dma_semaphore, #tpu.memory_space<semaphore_mem>>) src(%dma_wait3A_480 : memref<62500x16xf32, #tpu.memory_space<hbm>>) dst(%dma_wait3A_474 : memref<128x16xf32, #tpu.memory_space<vmem>>)
    %dma_wait3A_481 = arith.constant 2 : i32
    %dma_wait3A_482 = arith.constant 256 : i32
    %dma_wait3A_483 = arith.constant 0 : i32
    %dma_wait3A_484 = tpu.memref_slice %arg9[%dma_wait3A_482, %dma_wait3A_483] : memref<512x64xf32, #tpu.memory_space<vmem>> -> memref<128x64xf32, #tpu.memory_space<vmem>>
    %dma_wait3A_485 = arith.constant 0 : i32
    %dma_wait3A_486 = tpu.memref_slice %arg7[%dma_wait3A_481, %dma_wait3A_485] : memref<4x128xi32, #tpu.memory_space<vmem>> -> memref<1x128xi32, #tpu.memory_space<vmem>>
    %dma_wait3A_487 = tpu.memref_squeeze %dma_wait3A_486 : memref<1x128xi32, #tpu.memory_space<vmem>> -> memref<128xi32, #tpu.memory_space<vmem>>
    %dma_wait3A_488 = arith.constant 0 : i32
    %dma_wait3A_489 = arith.constant 0 : i32
    %dma_wait3A_490 = tpu.memref_slice %arg3[%dma_wait3A_488, %dma_wait3A_489] : memref<1000000x64xf32, #tpu.memory_space<hbm>> -> memref<1000000x64xf32, #tpu.memory_space<hbm>>
    tpu.wait_indirect_dma semaphore(%arg12 : memref<!tpu.dma_semaphore, #tpu.memory_space<semaphore_mem>>) src(%dma_wait3A_490 : memref<1000000x64xf32, #tpu.memory_space<hbm>>) dst(%dma_wait3A_484 : memref<128x64xf32, #tpu.memory_space<vmem>>)
    %dma_wait3A_491 = arith.constant 2 : i32
    %dma_wait3A_492 = arith.constant 256 : i32
    %dma_wait3A_493 = arith.constant 0 : i32
    %dma_wait3A_494 = tpu.memref_slice %arg10[%dma_wait3A_492, %dma_wait3A_493] : memref<512x16xf32, #tpu.memory_space<vmem>> -> memref<128x16xf32, #tpu.memory_space<vmem>>
    %dma_wait3A_495 = arith.constant 0 : i32
    %dma_wait3A_496 = tpu.memref_slice %arg8[%dma_wait3A_491, %dma_wait3A_495] : memref<4x128xi32, #tpu.memory_space<vmem>> -> memref<1x128xi32, #tpu.memory_space<vmem>>
    %dma_wait3A_497 = tpu.memref_squeeze %dma_wait3A_496 : memref<1x128xi32, #tpu.memory_space<vmem>> -> memref<128xi32, #tpu.memory_space<vmem>>
    %dma_wait3A_498 = arith.constant 0 : i32
    %dma_wait3A_499 = arith.constant 0 : i32
    %dma_wait3A_500 = tpu.memref_slice %arg4[%dma_wait3A_498, %dma_wait3A_499] : memref<62500x16xf32, #tpu.memory_space<hbm>> -> memref<62500x16xf32, #tpu.memory_space<hbm>>
    tpu.wait_indirect_dma semaphore(%arg13 : memref<!tpu.dma_semaphore, #tpu.memory_space<semaphore_mem>>) src(%dma_wait3A_500 : memref<62500x16xf32, #tpu.memory_space<hbm>>) dst(%dma_wait3A_494 : memref<128x16xf32, #tpu.memory_space<vmem>>)
    %dma_wait3A_501 = arith.constant 3 : i32
    %dma_wait3A_502 = arith.constant 384 : i32
    %dma_wait3A_503 = arith.constant 0 : i32
    %dma_wait3A_504 = tpu.memref_slice %arg9[%dma_wait3A_502, %dma_wait3A_503] : memref<512x64xf32, #tpu.memory_space<vmem>> -> memref<128x64xf32, #tpu.memory_space<vmem>>
    %dma_wait3A_505 = arith.constant 0 : i32
    %dma_wait3A_506 = tpu.memref_slice %arg7[%dma_wait3A_501, %dma_wait3A_505] : memref<4x128xi32, #tpu.memory_space<vmem>> -> memref<1x128xi32, #tpu.memory_space<vmem>>
    %dma_wait3A_507 = tpu.memref_squeeze %dma_wait3A_506 : memref<1x128xi32, #tpu.memory_space<vmem>> -> memref<128xi32, #tpu.memory_space<vmem>>
    %dma_wait3A_508 = arith.constant 0 : i32
    %dma_wait3A_509 = arith.constant 0 : i32
    %dma_wait3A_510 = tpu.memref_slice %arg3[%dma_wait3A_508, %dma_wait3A_509] : memref<1000000x64xf32, #tpu.memory_space<hbm>> -> memref<1000000x64xf32, #tpu.memory_space<hbm>>
    tpu.wait_indirect_dma semaphore(%arg12 : memref<!tpu.dma_semaphore, #tpu.memory_space<semaphore_mem>>) src(%dma_wait3A_510 : memref<1000000x64xf32, #tpu.memory_space<hbm>>) dst(%dma_wait3A_504 : memref<128x64xf32, #tpu.memory_space<vmem>>)
    %dma_wait3A_511 = arith.constant 3 : i32
    %dma_wait3A_512 = arith.constant 384 : i32
    %dma_wait3A_513 = arith.constant 0 : i32
    %dma_wait3A_514 = tpu.memref_slice %arg10[%dma_wait3A_512, %dma_wait3A_513] : memref<512x16xf32, #tpu.memory_space<vmem>> -> memref<128x16xf32, #tpu.memory_space<vmem>>
    %dma_wait3A_515 = arith.constant 0 : i32
    %dma_wait3A_516 = tpu.memref_slice %arg8[%dma_wait3A_511, %dma_wait3A_515] : memref<4x128xi32, #tpu.memory_space<vmem>> -> memref<1x128xi32, #tpu.memory_space<vmem>>
    %dma_wait3A_517 = tpu.memref_squeeze %dma_wait3A_516 : memref<1x128xi32, #tpu.memory_space<vmem>> -> memref<128xi32, #tpu.memory_space<vmem>>
    %dma_wait3A_518 = arith.constant 0 : i32
    %dma_wait3A_519 = arith.constant 0 : i32
    %dma_wait3A_520 = tpu.memref_slice %arg4[%dma_wait3A_518, %dma_wait3A_519] : memref<62500x16xf32, #tpu.memory_space<hbm>> -> memref<62500x16xf32, #tpu.memory_space<hbm>>
    tpu.wait_indirect_dma semaphore(%arg13 : memref<!tpu.dma_semaphore, #tpu.memory_space<semaphore_mem>>) src(%dma_wait3A_520 : memref<62500x16xf32, #tpu.memory_space<hbm>>) dst(%dma_wait3A_514 : memref<128x16xf32, #tpu.memory_space<vmem>>)
    %iota3A = tpu.iota {dimensions = array<i32: 0>} : vector<16xi32>
    %get3A_521 = arith.constant 0 : i32
    %get3A_522 = arith.index_cast %get3A_521 : i32 to index
    %get3A_523 = arith.constant 0 : index
    %get3A_524 = tpu.vector_load %arg7[%get3A_522, %get3A_523] {strides = array<i32>} : memref<4x128xi32, #tpu.memory_space<vmem>>, vector<16xi32>,
    %broadcast_in_dim3A = arith.constant 0 : i32
    %broadcast_in_dim3A_525 = vector.broadcast %broadcast_in_dim3A : i32 to vector<16xi32>
    %add3A_526 = arith.addi %broadcast_in_dim3A_525, %iota3A : vector<16xi32>
    %broadcast_in_dim3A_527 = arith.constant 15 : i32
    %broadcast_in_dim3A_528 = vector.broadcast %broadcast_in_dim3A_527 : i32 to vector<16xi32>
    %and3A = arith.andi %get3A_524, %broadcast_in_dim3A_528 : vector<16xi32>
    %gather3A = tpu.vector_load_idx %arg10[%add3A_526, %and3A] : memref<512x16xf32, #tpu.memory_space<vmem>>[vector<16xi32>, vector<16xi32>], vector<16xf32>,
    %swap3A_529 = arith.constant 0 : index
    %swap3A_530 = tpu.vector_load %arg11[%swap3A_529] {strides = array<i32>} : memref<512xf32, #tpu.memory_space<vmem>>, vector<16xf32>,
    tpu.vector_store %arg11[%swap3A_529], %gather3A {strides = array<i32>} : memref<512xf32, #tpu.memory_space<vmem>>, vector<16xf32>,
    %get3A_531 = arith.constant 0 : i32
    %get3A_532 = arith.index_cast %get3A_531 : i32 to index
    %get3A_533 = arith.constant 16 : index
    %get3A_534 = tpu.vector_load %arg7[%get3A_532, %get3A_533] {strides = array<i32>} : memref<4x128xi32, #tpu.memory_space<vmem>>, vector<16xi32>,
    %broadcast_in_dim3A_535 = arith.constant 16 : i32
    %broadcast_in_dim3A_536 = vector.broadcast %broadcast_in_dim3A_535 : i32 to vector<16xi32>
    %add3A_537 = arith.addi %broadcast_in_dim3A_536, %iota3A : vector<16xi32>
    %broadcast_in_dim3A_538 = arith.constant 15 : i32
    %broadcast_in_dim3A_539 = vector.broadcast %broadcast_in_dim3A_538 : i32 to vector<16xi32>
    %and3A_540 = arith.andi %get3A_534, %broadcast_in_dim3A_539 : vector<16xi32>
    %gather3A_541 = tpu.vector_load_idx %arg10[%add3A_537, %and3A_540] : memref<512x16xf32, #tpu.memory_space<vmem>>[vector<16xi32>, vector<16xi32>], vector<16xf32>,
    %swap3A_542 = arith.constant 16 : index
    %swap3A_543 = tpu.vector_load %arg11[%swap3A_542] {strides = array<i32>} : memref<512xf32, #tpu.memory_space<vmem>>, vector<16xf32>,
    tpu.vector_store %arg11[%swap3A_542], %gather3A_541 {strides = array<i32>} : memref<512xf32, #tpu.memory_space<vmem>>, vector<16xf32>,
    %get3A_544 = arith.constant 0 : i32
    %get3A_545 = arith.index_cast %get3A_544 : i32 to index
    %get3A_546 = arith.constant 32 : index
    %get3A_547 = tpu.vector_load %arg7[%get3A_545, %get3A_546] {strides = array<i32>} : memref<4x128xi32, #tpu.memory_space<vmem>>, vector<16xi32>,
    %broadcast_in_dim3A_548 = arith.constant 32 : i32
    %broadcast_in_dim3A_549 = vector.broadcast %broadcast_in_dim3A_548 : i32 to vector<16xi32>
    %add3A_550 = arith.addi %broadcast_in_dim3A_549, %iota3A : vector<16xi32>
    %broadcast_in_dim3A_551 = arith.constant 15 : i32
    %broadcast_in_dim3A_552 = vector.broadcast %broadcast_in_dim3A_551 : i32 to vector<16xi32>
    %and3A_553 = arith.andi %get3A_547, %broadcast_in_dim3A_552 : vector<16xi32>
    %gather3A_554 = tpu.vector_load_idx %arg10[%add3A_550, %and3A_553] : memref<512x16xf32, #tpu.memory_space<vmem>>[vector<16xi32>, vector<16xi32>], vector<16xf32>,
    %swap3A_555 = arith.constant 32 : index
    %swap3A_556 = tpu.vector_load %arg11[%swap3A_555] {strides = array<i32>} : memref<512xf32, #tpu.memory_space<vmem>>, vector<16xf32>,
    tpu.vector_store %arg11[%swap3A_555], %gather3A_554 {strides = array<i32>} : memref<512xf32, #tpu.memory_space<vmem>>, vector<16xf32>,
    %get3A_557 = arith.constant 0 : i32
    %get3A_558 = arith.index_cast %get3A_557 : i32 to index
    %get3A_559 = arith.constant 48 : index
    %get3A_560 = tpu.vector_load %arg7[%get3A_558, %get3A_559] {strides = array<i32>} : memref<4x128xi32, #tpu.memory_space<vmem>>, vector<16xi32>,
    %broadcast_in_dim3A_561 = arith.constant 48 : i32
    %broadcast_in_dim3A_562 = vector.broadcast %broadcast_in_dim3A_561 : i32 to vector<16xi32>
    %add3A_563 = arith.addi %broadcast_in_dim3A_562, %iota3A : vector<16xi32>
    %broadcast_in_dim3A_564 = arith.constant 15 : i32
    %broadcast_in_dim3A_565 = vector.broadcast %broadcast_in_dim3A_564 : i32 to vector<16xi32>
    %and3A_566 = arith.andi %get3A_560, %broadcast_in_dim3A_565 : vector<16xi32>
    %gather3A_567 = tpu.vector_load_idx %arg10[%add3A_563, %and3A_566] : memref<512x16xf32, #tpu.memory_space<vmem>>[vector<16xi32>, vector<16xi32>], vector<16xf32>,
    %swap3A_568 = arith.constant 48 : index
    %swap3A_569 = tpu.vector_load %arg11[%swap3A_568] {strides = array<i32>} : memref<512xf32, #tpu.memory_space<vmem>>, vector<16xf32>,
    tpu.vector_store %arg11[%swap3A_568], %gather3A_567 {strides = array<i32>} : memref<512xf32, #tpu.memory_space<vmem>>, vector<16xf32>,
    %get3A_570 = arith.constant 0 : i32
    %get3A_571 = arith.index_cast %get3A_570 : i32 to index
    %get3A_572 = arith.constant 64 : index
    %get3A_573 = tpu.vector_load %arg7[%get3A_571, %get3A_572] {strides = array<i32>} : memref<4x128xi32, #tpu.memory_space<vmem>>, vector<16xi32>,
    %broadcast_in_dim3A_574 = arith.constant 64 : i32
    %broadcast_in_dim3A_575 = vector.broadcast %broadcast_in_dim3A_574 : i32 to vector<16xi32>
    %add3A_576 = arith.addi %broadcast_in_dim3A_575, %iota3A : vector<16xi32>
    %broadcast_in_dim3A_577 = arith.constant 15 : i32
    %broadcast_in_dim3A_578 = vector.broadcast %broadcast_in_dim3A_577 : i32 to vector<16xi32>
    %and3A_579 = arith.andi %get3A_573, %broadcast_in_dim3A_578 : vector<16xi32>
    %gather3A_580 = tpu.vector_load_idx %arg10[%add3A_576, %and3A_579] : memref<512x16xf32, #tpu.memory_space<vmem>>[vector<16xi32>, vector<16xi32>], vector<16xf32>,
    %swap3A_581 = arith.constant 64 : index
    %swap3A_582 = tpu.vector_load %arg11[%swap3A_581] {strides = array<i32>} : memref<512xf32, #tpu.memory_space<vmem>>, vector<16xf32>,
    tpu.vector_store %arg11[%swap3A_581], %gather3A_580 {strides = array<i32>} : memref<512xf32, #tpu.memory_space<vmem>>, vector<16xf32>,
    %get3A_583 = arith.constant 0 : i32
    %get3A_584 = arith.index_cast %get3A_583 : i32 to index
    %get3A_585 = arith.constant 80 : index
    %get3A_586 = tpu.vector_load %arg7[%get3A_584, %get3A_585] {strides = array<i32>} : memref<4x128xi32, #tpu.memory_space<vmem>>, vector<16xi32>,
    %broadcast_in_dim3A_587 = arith.constant 80 : i32
    %broadcast_in_dim3A_588 = vector.broadcast %broadcast_in_dim3A_587 : i32 to vector<16xi32>
    %add3A_589 = arith.addi %broadcast_in_dim3A_588, %iota3A : vector<16xi32>
    %broadcast_in_dim3A_590 = arith.constant 15 : i32
    %broadcast_in_dim3A_591 = vector.broadcast %broadcast_in_dim3A_590 : i32 to vector<16xi32>
    %and3A_592 = arith.andi %get3A_586, %broadcast_in_dim3A_591 : vector<16xi32>
    %gather3A_593 = tpu.vector_load_idx %arg10[%add3A_589, %and3A_592] : memref<512x16xf32, #tpu.memory_space<vmem>>[vector<16xi32>, vector<16xi32>], vector<16xf32>,
    %swap3A_594 = arith.constant 80 : index
    %swap3A_595 = tpu.vector_load %arg11[%swap3A_594] {strides = array<i32>} : memref<512xf32, #tpu.memory_space<vmem>>, vector<16xf32>,
    tpu.vector_store %arg11[%swap3A_594], %gather3A_593 {strides = array<i32>} : memref<512xf32, #tpu.memory_space<vmem>>, vector<16xf32>,
    %get3A_596 = arith.constant 0 : i32
    %get3A_597 = arith.index_cast %get3A_596 : i32 to index
    %get3A_598 = arith.constant 96 : index
    %get3A_599 = tpu.vector_load %arg7[%get3A_597, %get3A_598] {strides = array<i32>} : memref<4x128xi32, #tpu.memory_space<vmem>>, vector<16xi32>,
    %broadcast_in_dim3A_600 = arith.constant 96 : i32
    %broadcast_in_dim3A_601 = vector.broadcast %broadcast_in_dim3A_600 : i32 to vector<16xi32>
    %add3A_602 = arith.addi %broadcast_in_dim3A_601, %iota3A : vector<16xi32>
    %broadcast_in_dim3A_603 = arith.constant 15 : i32
    %broadcast_in_dim3A_604 = vector.broadcast %broadcast_in_dim3A_603 : i32 to vector<16xi32>
    %and3A_605 = arith.andi %get3A_599, %broadcast_in_dim3A_604 : vector<16xi32>
    %gather3A_606 = tpu.vector_load_idx %arg10[%add3A_602, %and3A_605] : memref<512x16xf32, #tpu.memory_space<vmem>>[vector<16xi32>, vector<16xi32>], vector<16xf32>,
    %swap3A_607 = arith.constant 96 : index
    %swap3A_608 = tpu.vector_load %arg11[%swap3A_607] {strides = array<i32>} : memref<512xf32, #tpu.memory_space<vmem>>, vector<16xf32>,
    tpu.vector_store %arg11[%swap3A_607], %gather3A_606 {strides = array<i32>} : memref<512xf32, #tpu.memory_space<vmem>>, vector<16xf32>,
    %get3A_609 = arith.constant 0 : i32
    %get3A_610 = arith.index_cast %get3A_609 : i32 to index
    %get3A_611 = arith.constant 112 : index
    %get3A_612 = tpu.vector_load %arg7[%get3A_610, %get3A_611] {strides = array<i32>} : memref<4x128xi32, #tpu.memory_space<vmem>>, vector<16xi32>,
    %broadcast_in_dim3A_613 = arith.constant 112 : i32
    %broadcast_in_dim3A_614 = vector.broadcast %broadcast_in_dim3A_613 : i32 to vector<16xi32>
    %add3A_615 = arith.addi %broadcast_in_dim3A_614, %iota3A : vector<16xi32>
    %broadcast_in_dim3A_616 = arith.constant 15 : i32
    %broadcast_in_dim3A_617 = vector.broadcast %broadcast_in_dim3A_616 : i32 to vector<16xi32>
    %and3A_618 = arith.andi %get3A_612, %broadcast_in_dim3A_617 : vector<16xi32>
    %gather3A_619 = tpu.vector_load_idx %arg10[%add3A_615, %and3A_618] : memref<512x16xf32, #tpu.memory_space<vmem>>[vector<16xi32>, vector<16xi32>], vector<16xf32>,
    %swap3A_620 = arith.constant 112 : index
    %swap3A_621 = tpu.vector_load %arg11[%swap3A_620] {strides = array<i32>} : memref<512xf32, #tpu.memory_space<vmem>>, vector<16xf32>,
    tpu.vector_store %arg11[%swap3A_620], %gather3A_619 {strides = array<i32>} : memref<512xf32, #tpu.memory_space<vmem>>, vector<16xf32>,
    %get3A_622 = arith.constant 1 : i32
    %get3A_623 = arith.index_cast %get3A_622 : i32 to index
    %get3A_624 = arith.constant 0 : index
    %get3A_625 = tpu.vector_load %arg7[%get3A_623, %get3A_624] {strides = array<i32>} : memref<4x128xi32, #tpu.memory_space<vmem>>, vector<16xi32>,
    %broadcast_in_dim3A_626 = arith.constant 128 : i32
    %broadcast_in_dim3A_627 = vector.broadcast %broadcast_in_dim3A_626 : i32 to vector<16xi32>
    %add3A_628 = arith.addi %broadcast_in_dim3A_627, %iota3A : vector<16xi32>
    %broadcast_in_dim3A_629 = arith.constant 15 : i32
    %broadcast_in_dim3A_630 = vector.broadcast %broadcast_in_dim3A_629 : i32 to vector<16xi32>
    %and3A_631 = arith.andi %get3A_625, %broadcast_in_dim3A_630 : vector<16xi32>
    %gather3A_632 = tpu.vector_load_idx %arg10[%add3A_628, %and3A_631] : memref<512x16xf32, #tpu.memory_space<vmem>>[vector<16xi32>, vector<16xi32>], vector<16xf32>,
    %swap3A_633 = arith.constant 128 : index
    %swap3A_634 = tpu.vector_load %arg11[%swap3A_633] {strides = array<i32>} : memref<512xf32, #tpu.memory_space<vmem>>, vector<16xf32>,
    tpu.vector_store %arg11[%swap3A_633], %gather3A_632 {strides = array<i32>} : memref<512xf32, #tpu.memory_space<vmem>>, vector<16xf32>,
    %get3A_635 = arith.constant 1 : i32
    %get3A_636 = arith.index_cast %get3A_635 : i32 to index
    %get3A_637 = arith.constant 16 : index
    %get3A_638 = tpu.vector_load %arg7[%get3A_636, %get3A_637] {strides = array<i32>} : memref<4x128xi32, #tpu.memory_space<vmem>>, vector<16xi32>,
    %broadcast_in_dim3A_639 = arith.constant 144 : i32
    %broadcast_in_dim3A_640 = vector.broadcast %broadcast_in_dim3A_639 : i32 to vector<16xi32>
    %add3A_641 = arith.addi %broadcast_in_dim3A_640, %iota3A : vector<16xi32>
    %broadcast_in_dim3A_642 = arith.constant 15 : i32
    %broadcast_in_dim3A_643 = vector.broadcast %broadcast_in_dim3A_642 : i32 to vector<16xi32>
    %and3A_644 = arith.andi %get3A_638, %broadcast_in_dim3A_643 : vector<16xi32>
    %gather3A_645 = tpu.vector_load_idx %arg10[%add3A_641, %and3A_644] : memref<512x16xf32, #tpu.memory_space<vmem>>[vector<16xi32>, vector<16xi32>], vector<16xf32>,
    %swap3A_646 = arith.constant 144 : index
    %swap3A_647 = tpu.vector_load %arg11[%swap3A_646] {strides = array<i32>} : memref<512xf32, #tpu.memory_space<vmem>>, vector<16xf32>,
    tpu.vector_store %arg11[%swap3A_646], %gather3A_645 {strides = array<i32>} : memref<512xf32, #tpu.memory_space<vmem>>, vector<16xf32>,
    %get3A_648 = arith.constant 1 : i32
    %get3A_649 = arith.index_cast %get3A_648 : i32 to index
    %get3A_650 = arith.constant 32 : index
    %get3A_651 = tpu.vector_load %arg7[%get3A_649, %get3A_650] {strides = array<i32>} : memref<4x128xi32, #tpu.memory_space<vmem>>, vector<16xi32>,
    %broadcast_in_dim3A_652 = arith.constant 160 : i32
    %broadcast_in_dim3A_653 = vector.broadcast %broadcast_in_dim3A_652 : i32 to vector<16xi32>
    %add3A_654 = arith.addi %broadcast_in_dim3A_653, %iota3A : vector<16xi32>
    %broadcast_in_dim3A_655 = arith.constant 15 : i32
    %broadcast_in_dim3A_656 = vector.broadcast %broadcast_in_dim3A_655 : i32 to vector<16xi32>
    %and3A_657 = arith.andi %get3A_651, %broadcast_in_dim3A_656 : vector<16xi32>
    %gather3A_658 = tpu.vector_load_idx %arg10[%add3A_654, %and3A_657] : memref<512x16xf32, #tpu.memory_space<vmem>>[vector<16xi32>, vector<16xi32>], vector<16xf32>,
    %swap3A_659 = arith.constant 160 : index
    %swap3A_660 = tpu.vector_load %arg11[%swap3A_659] {strides = array<i32>} : memref<512xf32, #tpu.memory_space<vmem>>, vector<16xf32>,
    tpu.vector_store %arg11[%swap3A_659], %gather3A_658 {strides = array<i32>} : memref<512xf32, #tpu.memory_space<vmem>>, vector<16xf32>,
    %get3A_661 = arith.constant 1 : i32
    %get3A_662 = arith.index_cast %get3A_661 : i32 to index
    %get3A_663 = arith.constant 48 : index
    %get3A_664 = tpu.vector_load %arg7[%get3A_662, %get3A_663] {strides = array<i32>} : memref<4x128xi32, #tpu.memory_space<vmem>>, vector<16xi32>,
    %broadcast_in_dim3A_665 = arith.constant 176 : i32
    %broadcast_in_dim3A_666 = vector.broadcast %broadcast_in_dim3A_665 : i32 to vector<16xi32>
    %add3A_667 = arith.addi %broadcast_in_dim3A_666, %iota3A : vector<16xi32>
    %broadcast_in_dim3A_668 = arith.constant 15 : i32
    %broadcast_in_dim3A_669 = vector.broadcast %broadcast_in_dim3A_668 : i32 to vector<16xi32>
    %and3A_670 = arith.andi %get3A_664, %broadcast_in_dim3A_669 : vector<16xi32>
    %gather3A_671 = tpu.vector_load_idx %arg10[%add3A_667, %and3A_670] : memref<512x16xf32, #tpu.memory_space<vmem>>[vector<16xi32>, vector<16xi32>], vector<16xf32>,
    %swap3A_672 = arith.constant 176 : index
    %swap3A_673 = tpu.vector_load %arg11[%swap3A_672] {strides = array<i32>} : memref<512xf32, #tpu.memory_space<vmem>>, vector<16xf32>,
    tpu.vector_store %arg11[%swap3A_672], %gather3A_671 {strides = array<i32>} : memref<512xf32, #tpu.memory_space<vmem>>, vector<16xf32>,
    %get3A_674 = arith.constant 1 : i32
    %get3A_675 = arith.index_cast %get3A_674 : i32 to index
    %get3A_676 = arith.constant 64 : index
    %get3A_677 = tpu.vector_load %arg7[%get3A_675, %get3A_676] {strides = array<i32>} : memref<4x128xi32, #tpu.memory_space<vmem>>, vector<16xi32>,
    %broadcast_in_dim3A_678 = arith.constant 192 : i32
    %broadcast_in_dim3A_679 = vector.broadcast %broadcast_in_dim3A_678 : i32 to vector<16xi32>
    %add3A_680 = arith.addi %broadcast_in_dim3A_679, %iota3A : vector<16xi32>
    %broadcast_in_dim3A_681 = arith.constant 15 : i32
    %broadcast_in_dim3A_682 = vector.broadcast %broadcast_in_dim3A_681 : i32 to vector<16xi32>
    %and3A_683 = arith.andi %get3A_677, %broadcast_in_dim3A_682 : vector<16xi32>
    %gather3A_684 = tpu.vector_load_idx %arg10[%add3A_680, %and3A_683] : memref<512x16xf32, #tpu.memory_space<vmem>>[vector<16xi32>, vector<16xi32>], vector<16xf32>,
    %swap3A_685 = arith.constant 192 : index
    %swap3A_686 = tpu.vector_load %arg11[%swap3A_685] {strides = array<i32>} : memref<512xf32, #tpu.memory_space<vmem>>, vector<16xf32>,
    tpu.vector_store %arg11[%swap3A_685], %gather3A_684 {strides = array<i32>} : memref<512xf32, #tpu.memory_space<vmem>>, vector<16xf32>,
    %get3A_687 = arith.constant 1 : i32
    %get3A_688 = arith.index_cast %get3A_687 : i32 to index
    %get3A_689 = arith.constant 80 : index
    %get3A_690 = tpu.vector_load %arg7[%get3A_688, %get3A_689] {strides = array<i32>} : memref<4x128xi32, #tpu.memory_space<vmem>>, vector<16xi32>,
    %broadcast_in_dim3A_691 = arith.constant 208 : i32
    %broadcast_in_dim3A_692 = vector.broadcast %broadcast_in_dim3A_691 : i32 to vector<16xi32>
    %add3A_693 = arith.addi %broadcast_in_dim3A_692, %iota3A : vector<16xi32>
    %broadcast_in_dim3A_694 = arith.constant 15 : i32
    %broadcast_in_dim3A_695 = vector.broadcast %broadcast_in_dim3A_694 : i32 to vector<16xi32>
    %and3A_696 = arith.andi %get3A_690, %broadcast_in_dim3A_695 : vector<16xi32>
    %gather3A_697 = tpu.vector_load_idx %arg10[%add3A_693, %and3A_696] : memref<512x16xf32, #tpu.memory_space<vmem>>[vector<16xi32>, vector<16xi32>], vector<16xf32>,
    %swap3A_698 = arith.constant 208 : index
    %swap3A_699 = tpu.vector_load %arg11[%swap3A_698] {strides = array<i32>} : memref<512xf32, #tpu.memory_space<vmem>>, vector<16xf32>,
    tpu.vector_store %arg11[%swap3A_698], %gather3A_697 {strides = array<i32>} : memref<512xf32, #tpu.memory_space<vmem>>, vector<16xf32>,
    %get3A_700 = arith.constant 1 : i32
    %get3A_701 = arith.index_cast %get3A_700 : i32 to index
    %get3A_702 = arith.constant 96 : index
    %get3A_703 = tpu.vector_load %arg7[%get3A_701, %get3A_702] {strides = array<i32>} : memref<4x128xi32, #tpu.memory_space<vmem>>, vector<16xi32>,
    %broadcast_in_dim3A_704 = arith.constant 224 : i32
    %broadcast_in_dim3A_705 = vector.broadcast %broadcast_in_dim3A_704 : i32 to vector<16xi32>
    %add3A_706 = arith.addi %broadcast_in_dim3A_705, %iota3A : vector<16xi32>
    %broadcast_in_dim3A_707 = arith.constant 15 : i32
    %broadcast_in_dim3A_708 = vector.broadcast %broadcast_in_dim3A_707 : i32 to vector<16xi32>
    %and3A_709 = arith.andi %get3A_703, %broadcast_in_dim3A_708 : vector<16xi32>
    %gather3A_710 = tpu.vector_load_idx %arg10[%add3A_706, %and3A_709] : memref<512x16xf32, #tpu.memory_space<vmem>>[vector<16xi32>, vector<16xi32>], vector<16xf32>,
    %swap3A_711 = arith.constant 224 : index
    %swap3A_712 = tpu.vector_load %arg11[%swap3A_711] {strides = array<i32>} : memref<512xf32, #tpu.memory_space<vmem>>, vector<16xf32>,
    tpu.vector_store %arg11[%swap3A_711], %gather3A_710 {strides = array<i32>} : memref<512xf32, #tpu.memory_space<vmem>>, vector<16xf32>,
    %get3A_713 = arith.constant 1 : i32
    %get3A_714 = arith.index_cast %get3A_713 : i32 to index
    %get3A_715 = arith.constant 112 : index
    %get3A_716 = tpu.vector_load %arg7[%get3A_714, %get3A_715] {strides = array<i32>} : memref<4x128xi32, #tpu.memory_space<vmem>>, vector<16xi32>,
    %broadcast_in_dim3A_717 = arith.constant 240 : i32
    %broadcast_in_dim3A_718 = vector.broadcast %broadcast_in_dim3A_717 : i32 to vector<16xi32>
    %add3A_719 = arith.addi %broadcast_in_dim3A_718, %iota3A : vector<16xi32>
    %broadcast_in_dim3A_720 = arith.constant 15 : i32
    %broadcast_in_dim3A_721 = vector.broadcast %broadcast_in_dim3A_720 : i32 to vector<16xi32>
    %and3A_722 = arith.andi %get3A_716, %broadcast_in_dim3A_721 : vector<16xi32>
    %gather3A_723 = tpu.vector_load_idx %arg10[%add3A_719, %and3A_722] : memref<512x16xf32, #tpu.memory_space<vmem>>[vector<16xi32>, vector<16xi32>], vector<16xf32>,
    %swap3A_724 = arith.constant 240 : index
    %swap3A_725 = tpu.vector_load %arg11[%swap3A_724] {strides = array<i32>} : memref<512xf32, #tpu.memory_space<vmem>>, vector<16xf32>,
    tpu.vector_store %arg11[%swap3A_724], %gather3A_723 {strides = array<i32>} : memref<512xf32, #tpu.memory_space<vmem>>, vector<16xf32>,
    %get3A_726 = arith.constant 2 : i32
    %get3A_727 = arith.index_cast %get3A_726 : i32 to index
    %get3A_728 = arith.constant 0 : index
    %get3A_729 = tpu.vector_load %arg7[%get3A_727, %get3A_728] {strides = array<i32>} : memref<4x128xi32, #tpu.memory_space<vmem>>, vector<16xi32>,
    %broadcast_in_dim3A_730 = arith.constant 256 : i32
    %broadcast_in_dim3A_731 = vector.broadcast %broadcast_in_dim3A_730 : i32 to vector<16xi32>
    %add3A_732 = arith.addi %broadcast_in_dim3A_731, %iota3A : vector<16xi32>
    %broadcast_in_dim3A_733 = arith.constant 15 : i32
    %broadcast_in_dim3A_734 = vector.broadcast %broadcast_in_dim3A_733 : i32 to vector<16xi32>
    %and3A_735 = arith.andi %get3A_729, %broadcast_in_dim3A_734 : vector<16xi32>
    %gather3A_736 = tpu.vector_load_idx %arg10[%add3A_732, %and3A_735] : memref<512x16xf32, #tpu.memory_space<vmem>>[vector<16xi32>, vector<16xi32>], vector<16xf32>,
    %swap3A_737 = arith.constant 256 : index
    %swap3A_738 = tpu.vector_load %arg11[%swap3A_737] {strides = array<i32>} : memref<512xf32, #tpu.memory_space<vmem>>, vector<16xf32>,
    tpu.vector_store %arg11[%swap3A_737], %gather3A_736 {strides = array<i32>} : memref<512xf32, #tpu.memory_space<vmem>>, vector<16xf32>,
    %get3A_739 = arith.constant 2 : i32
    %get3A_740 = arith.index_cast %get3A_739 : i32 to index
    %get3A_741 = arith.constant 16 : index
    %get3A_742 = tpu.vector_load %arg7[%get3A_740, %get3A_741] {strides = array<i32>} : memref<4x128xi32, #tpu.memory_space<vmem>>, vector<16xi32>,
    %broadcast_in_dim3A_743 = arith.constant 272 : i32
    %broadcast_in_dim3A_744 = vector.broadcast %broadcast_in_dim3A_743 : i32 to vector<16xi32>
    %add3A_745 = arith.addi %broadcast_in_dim3A_744, %iota3A : vector<16xi32>
    %broadcast_in_dim3A_746 = arith.constant 15 : i32
    %broadcast_in_dim3A_747 = vector.broadcast %broadcast_in_dim3A_746 : i32 to vector<16xi32>
    %and3A_748 = arith.andi %get3A_742, %broadcast_in_dim3A_747 : vector<16xi32>
    %gather3A_749 = tpu.vector_load_idx %arg10[%add3A_745, %and3A_748] : memref<512x16xf32, #tpu.memory_space<vmem>>[vector<16xi32>, vector<16xi32>], vector<16xf32>,
    %swap3A_750 = arith.constant 272 : index
    %swap3A_751 = tpu.vector_load %arg11[%swap3A_750] {strides = array<i32>} : memref<512xf32, #tpu.memory_space<vmem>>, vector<16xf32>,
    tpu.vector_store %arg11[%swap3A_750], %gather3A_749 {strides = array<i32>} : memref<512xf32, #tpu.memory_space<vmem>>, vector<16xf32>,
    %get3A_752 = arith.constant 2 : i32
    %get3A_753 = arith.index_cast %get3A_752 : i32 to index
    %get3A_754 = arith.constant 32 : index
    %get3A_755 = tpu.vector_load %arg7[%get3A_753, %get3A_754] {strides = array<i32>} : memref<4x128xi32, #tpu.memory_space<vmem>>, vector<16xi32>,
    %broadcast_in_dim3A_756 = arith.constant 288 : i32
    %broadcast_in_dim3A_757 = vector.broadcast %broadcast_in_dim3A_756 : i32 to vector<16xi32>
    %add3A_758 = arith.addi %broadcast_in_dim3A_757, %iota3A : vector<16xi32>
    %broadcast_in_dim3A_759 = arith.constant 15 : i32
    %broadcast_in_dim3A_760 = vector.broadcast %broadcast_in_dim3A_759 : i32 to vector<16xi32>
    %and3A_761 = arith.andi %get3A_755, %broadcast_in_dim3A_760 : vector<16xi32>
    %gather3A_762 = tpu.vector_load_idx %arg10[%add3A_758, %and3A_761] : memref<512x16xf32, #tpu.memory_space<vmem>>[vector<16xi32>, vector<16xi32>], vector<16xf32>,
    %swap3A_763 = arith.constant 288 : index
    %swap3A_764 = tpu.vector_load %arg11[%swap3A_763] {strides = array<i32>} : memref<512xf32, #tpu.memory_space<vmem>>, vector<16xf32>,
    tpu.vector_store %arg11[%swap3A_763], %gather3A_762 {strides = array<i32>} : memref<512xf32, #tpu.memory_space<vmem>>, vector<16xf32>,
    %get3A_765 = arith.constant 2 : i32
    %get3A_766 = arith.index_cast %get3A_765 : i32 to index
    %get3A_767 = arith.constant 48 : index
    %get3A_768 = tpu.vector_load %arg7[%get3A_766, %get3A_767] {strides = array<i32>} : memref<4x128xi32, #tpu.memory_space<vmem>>, vector<16xi32>,
    %broadcast_in_dim3A_769 = arith.constant 304 : i32
    %broadcast_in_dim3A_770 = vector.broadcast %broadcast_in_dim3A_769 : i32 to vector<16xi32>
    %add3A_771 = arith.addi %broadcast_in_dim3A_770, %iota3A : vector<16xi32>
    %broadcast_in_dim3A_772 = arith.constant 15 : i32
    %broadcast_in_dim3A_773 = vector.broadcast %broadcast_in_dim3A_772 : i32 to vector<16xi32>
    %and3A_774 = arith.andi %get3A_768, %broadcast_in_dim3A_773 : vector<16xi32>
    %gather3A_775 = tpu.vector_load_idx %arg10[%add3A_771, %and3A_774] : memref<512x16xf32, #tpu.memory_space<vmem>>[vector<16xi32>, vector<16xi32>], vector<16xf32>,
    %swap3A_776 = arith.constant 304 : index
    %swap3A_777 = tpu.vector_load %arg11[%swap3A_776] {strides = array<i32>} : memref<512xf32, #tpu.memory_space<vmem>>, vector<16xf32>,
    tpu.vector_store %arg11[%swap3A_776], %gather3A_775 {strides = array<i32>} : memref<512xf32, #tpu.memory_space<vmem>>, vector<16xf32>,
    %get3A_778 = arith.constant 2 : i32
    %get3A_779 = arith.index_cast %get3A_778 : i32 to index
    %get3A_780 = arith.constant 64 : index
    %get3A_781 = tpu.vector_load %arg7[%get3A_779, %get3A_780] {strides = array<i32>} : memref<4x128xi32, #tpu.memory_space<vmem>>, vector<16xi32>,
    %broadcast_in_dim3A_782 = arith.constant 320 : i32
    %broadcast_in_dim3A_783 = vector.broadcast %broadcast_in_dim3A_782 : i32 to vector<16xi32>
    %add3A_784 = arith.addi %broadcast_in_dim3A_783, %iota3A : vector<16xi32>
    %broadcast_in_dim3A_785 = arith.constant 15 : i32
    %broadcast_in_dim3A_786 = vector.broadcast %broadcast_in_dim3A_785 : i32 to vector<16xi32>
    %and3A_787 = arith.andi %get3A_781, %broadcast_in_dim3A_786 : vector<16xi32>
    %gather3A_788 = tpu.vector_load_idx %arg10[%add3A_784, %and3A_787] : memref<512x16xf32, #tpu.memory_space<vmem>>[vector<16xi32>, vector<16xi32>], vector<16xf32>,
    %swap3A_789 = arith.constant 320 : index
    %swap3A_790 = tpu.vector_load %arg11[%swap3A_789] {strides = array<i32>} : memref<512xf32, #tpu.memory_space<vmem>>, vector<16xf32>,
    tpu.vector_store %arg11[%swap3A_789], %gather3A_788 {strides = array<i32>} : memref<512xf32, #tpu.memory_space<vmem>>, vector<16xf32>,
    %get3A_791 = arith.constant 2 : i32
    %get3A_792 = arith.index_cast %get3A_791 : i32 to index
    %get3A_793 = arith.constant 80 : index
    %get3A_794 = tpu.vector_load %arg7[%get3A_792, %get3A_793] {strides = array<i32>} : memref<4x128xi32, #tpu.memory_space<vmem>>, vector<16xi32>,
    %broadcast_in_dim3A_795 = arith.constant 336 : i32
    %broadcast_in_dim3A_796 = vector.broadcast %broadcast_in_dim3A_795 : i32 to vector<16xi32>
    %add3A_797 = arith.addi %broadcast_in_dim3A_796, %iota3A : vector<16xi32>
    %broadcast_in_dim3A_798 = arith.constant 15 : i32
    %broadcast_in_dim3A_799 = vector.broadcast %broadcast_in_dim3A_798 : i32 to vector<16xi32>
    %and3A_800 = arith.andi %get3A_794, %broadcast_in_dim3A_799 : vector<16xi32>
    %gather3A_801 = tpu.vector_load_idx %arg10[%add3A_797, %and3A_800] : memref<512x16xf32, #tpu.memory_space<vmem>>[vector<16xi32>, vector<16xi32>], vector<16xf32>,
    %swap3A_802 = arith.constant 336 : index
    %swap3A_803 = tpu.vector_load %arg11[%swap3A_802] {strides = array<i32>} : memref<512xf32, #tpu.memory_space<vmem>>, vector<16xf32>,
    tpu.vector_store %arg11[%swap3A_802], %gather3A_801 {strides = array<i32>} : memref<512xf32, #tpu.memory_space<vmem>>, vector<16xf32>,
    %get3A_804 = arith.constant 2 : i32
    %get3A_805 = arith.index_cast %get3A_804 : i32 to index
    %get3A_806 = arith.constant 96 : index
    %get3A_807 = tpu.vector_load %arg7[%get3A_805, %get3A_806] {strides = array<i32>} : memref<4x128xi32, #tpu.memory_space<vmem>>, vector<16xi32>,
    %broadcast_in_dim3A_808 = arith.constant 352 : i32
    %broadcast_in_dim3A_809 = vector.broadcast %broadcast_in_dim3A_808 : i32 to vector<16xi32>
    %add3A_810 = arith.addi %broadcast_in_dim3A_809, %iota3A : vector<16xi32>
    %broadcast_in_dim3A_811 = arith.constant 15 : i32
    %broadcast_in_dim3A_812 = vector.broadcast %broadcast_in_dim3A_811 : i32 to vector<16xi32>
    %and3A_813 = arith.andi %get3A_807, %broadcast_in_dim3A_812 : vector<16xi32>
    %gather3A_814 = tpu.vector_load_idx %arg10[%add3A_810, %and3A_813] : memref<512x16xf32, #tpu.memory_space<vmem>>[vector<16xi32>, vector<16xi32>], vector<16xf32>,
    %swap3A_815 = arith.constant 352 : index
    %swap3A_816 = tpu.vector_load %arg11[%swap3A_815] {strides = array<i32>} : memref<512xf32, #tpu.memory_space<vmem>>, vector<16xf32>,
    tpu.vector_store %arg11[%swap3A_815], %gather3A_814 {strides = array<i32>} : memref<512xf32, #tpu.memory_space<vmem>>, vector<16xf32>,
    %get3A_817 = arith.constant 2 : i32
    %get3A_818 = arith.index_cast %get3A_817 : i32 to index
    %get3A_819 = arith.constant 112 : index
    %get3A_820 = tpu.vector_load %arg7[%get3A_818, %get3A_819] {strides = array<i32>} : memref<4x128xi32, #tpu.memory_space<vmem>>, vector<16xi32>,
    %broadcast_in_dim3A_821 = arith.constant 368 : i32
    %broadcast_in_dim3A_822 = vector.broadcast %broadcast_in_dim3A_821 : i32 to vector<16xi32>
    %add3A_823 = arith.addi %broadcast_in_dim3A_822, %iota3A : vector<16xi32>
    %broadcast_in_dim3A_824 = arith.constant 15 : i32
    %broadcast_in_dim3A_825 = vector.broadcast %broadcast_in_dim3A_824 : i32 to vector<16xi32>
    %and3A_826 = arith.andi %get3A_820, %broadcast_in_dim3A_825 : vector<16xi32>
    %gather3A_827 = tpu.vector_load_idx %arg10[%add3A_823, %and3A_826] : memref<512x16xf32, #tpu.memory_space<vmem>>[vector<16xi32>, vector<16xi32>], vector<16xf32>,
    %swap3A_828 = arith.constant 368 : index
    %swap3A_829 = tpu.vector_load %arg11[%swap3A_828] {strides = array<i32>} : memref<512xf32, #tpu.memory_space<vmem>>, vector<16xf32>,
    tpu.vector_store %arg11[%swap3A_828], %gather3A_827 {strides = array<i32>} : memref<512xf32, #tpu.memory_space<vmem>>, vector<16xf32>,
    %get3A_830 = arith.constant 3 : i32
    %get3A_831 = arith.index_cast %get3A_830 : i32 to index
    %get3A_832 = arith.constant 0 : index
    %get3A_833 = tpu.vector_load %arg7[%get3A_831, %get3A_832] {strides = array<i32>} : memref<4x128xi32, #tpu.memory_space<vmem>>, vector<16xi32>,
    %broadcast_in_dim3A_834 = arith.constant 384 : i32
    %broadcast_in_dim3A_835 = vector.broadcast %broadcast_in_dim3A_834 : i32 to vector<16xi32>
    %add3A_836 = arith.addi %broadcast_in_dim3A_835, %iota3A : vector<16xi32>
    %broadcast_in_dim3A_837 = arith.constant 15 : i32
    %broadcast_in_dim3A_838 = vector.broadcast %broadcast_in_dim3A_837 : i32 to vector<16xi32>
    %and3A_839 = arith.andi %get3A_833, %broadcast_in_dim3A_838 : vector<16xi32>
    %gather3A_840 = tpu.vector_load_idx %arg10[%add3A_836, %and3A_839] : memref<512x16xf32, #tpu.memory_space<vmem>>[vector<16xi32>, vector<16xi32>], vector<16xf32>,
    %swap3A_841 = arith.constant 384 : index
    %swap3A_842 = tpu.vector_load %arg11[%swap3A_841] {strides = array<i32>} : memref<512xf32, #tpu.memory_space<vmem>>, vector<16xf32>,
    tpu.vector_store %arg11[%swap3A_841], %gather3A_840 {strides = array<i32>} : memref<512xf32, #tpu.memory_space<vmem>>, vector<16xf32>,
    %get3A_843 = arith.constant 3 : i32
    %get3A_844 = arith.index_cast %get3A_843 : i32 to index
    %get3A_845 = arith.constant 16 : index
    %get3A_846 = tpu.vector_load %arg7[%get3A_844, %get3A_845] {strides = array<i32>} : memref<4x128xi32, #tpu.memory_space<vmem>>, vector<16xi32>,
    %broadcast_in_dim3A_847 = arith.constant 400 : i32
    %broadcast_in_dim3A_848 = vector.broadcast %broadcast_in_dim3A_847 : i32 to vector<16xi32>
    %add3A_849 = arith.addi %broadcast_in_dim3A_848, %iota3A : vector<16xi32>
    %broadcast_in_dim3A_850 = arith.constant 15 : i32
    %broadcast_in_dim3A_851 = vector.broadcast %broadcast_in_dim3A_850 : i32 to vector<16xi32>
    %and3A_852 = arith.andi %get3A_846, %broadcast_in_dim3A_851 : vector<16xi32>
    %gather3A_853 = tpu.vector_load_idx %arg10[%add3A_849, %and3A_852] : memref<512x16xf32, #tpu.memory_space<vmem>>[vector<16xi32>, vector<16xi32>], vector<16xf32>,
    %swap3A_854 = arith.constant 400 : index
    %swap3A_855 = tpu.vector_load %arg11[%swap3A_854] {strides = array<i32>} : memref<512xf32, #tpu.memory_space<vmem>>, vector<16xf32>,
    tpu.vector_store %arg11[%swap3A_854], %gather3A_853 {strides = array<i32>} : memref<512xf32, #tpu.memory_space<vmem>>, vector<16xf32>,
    %get3A_856 = arith.constant 3 : i32
    %get3A_857 = arith.index_cast %get3A_856 : i32 to index
    %get3A_858 = arith.constant 32 : index
    %get3A_859 = tpu.vector_load %arg7[%get3A_857, %get3A_858] {strides = array<i32>} : memref<4x128xi32, #tpu.memory_space<vmem>>, vector<16xi32>,
    %broadcast_in_dim3A_860 = arith.constant 416 : i32
    %broadcast_in_dim3A_861 = vector.broadcast %broadcast_in_dim3A_860 : i32 to vector<16xi32>
    %add3A_862 = arith.addi %broadcast_in_dim3A_861, %iota3A : vector<16xi32>
    %broadcast_in_dim3A_863 = arith.constant 15 : i32
    %broadcast_in_dim3A_864 = vector.broadcast %broadcast_in_dim3A_863 : i32 to vector<16xi32>
    %and3A_865 = arith.andi %get3A_859, %broadcast_in_dim3A_864 : vector<16xi32>
    %gather3A_866 = tpu.vector_load_idx %arg10[%add3A_862, %and3A_865] : memref<512x16xf32, #tpu.memory_space<vmem>>[vector<16xi32>, vector<16xi32>], vector<16xf32>,
    %swap3A_867 = arith.constant 416 : index
    %swap3A_868 = tpu.vector_load %arg11[%swap3A_867] {strides = array<i32>} : memref<512xf32, #tpu.memory_space<vmem>>, vector<16xf32>,
    tpu.vector_store %arg11[%swap3A_867], %gather3A_866 {strides = array<i32>} : memref<512xf32, #tpu.memory_space<vmem>>, vector<16xf32>,
    %get3A_869 = arith.constant 3 : i32
    %get3A_870 = arith.index_cast %get3A_869 : i32 to index
    %get3A_871 = arith.constant 48 : index
    %get3A_872 = tpu.vector_load %arg7[%get3A_870, %get3A_871] {strides = array<i32>} : memref<4x128xi32, #tpu.memory_space<vmem>>, vector<16xi32>,
    %broadcast_in_dim3A_873 = arith.constant 432 : i32
    %broadcast_in_dim3A_874 = vector.broadcast %broadcast_in_dim3A_873 : i32 to vector<16xi32>
    %add3A_875 = arith.addi %broadcast_in_dim3A_874, %iota3A : vector<16xi32>
    %broadcast_in_dim3A_876 = arith.constant 15 : i32
    %broadcast_in_dim3A_877 = vector.broadcast %broadcast_in_dim3A_876 : i32 to vector<16xi32>
    %and3A_878 = arith.andi %get3A_872, %broadcast_in_dim3A_877 : vector<16xi32>
    %gather3A_879 = tpu.vector_load_idx %arg10[%add3A_875, %and3A_878] : memref<512x16xf32, #tpu.memory_space<vmem>>[vector<16xi32>, vector<16xi32>], vector<16xf32>,
    %swap3A_880 = arith.constant 432 : index
    %swap3A_881 = tpu.vector_load %arg11[%swap3A_880] {strides = array<i32>} : memref<512xf32, #tpu.memory_space<vmem>>, vector<16xf32>,
    tpu.vector_store %arg11[%swap3A_880], %gather3A_879 {strides = array<i32>} : memref<512xf32, #tpu.memory_space<vmem>>, vector<16xf32>,
    %get3A_882 = arith.constant 3 : i32
    %get3A_883 = arith.index_cast %get3A_882 : i32 to index
    %get3A_884 = arith.constant 64 : index
    %get3A_885 = tpu.vector_load %arg7[%get3A_883, %get3A_884] {strides = array<i32>} : memref<4x128xi32, #tpu.memory_space<vmem>>, vector<16xi32>,
    %broadcast_in_dim3A_886 = arith.constant 448 : i32
    %broadcast_in_dim3A_887 = vector.broadcast %broadcast_in_dim3A_886 : i32 to vector<16xi32>
    %add3A_888 = arith.addi %broadcast_in_dim3A_887, %iota3A : vector<16xi32>
    %broadcast_in_dim3A_889 = arith.constant 15 : i32
    %broadcast_in_dim3A_890 = vector.broadcast %broadcast_in_dim3A_889 : i32 to vector<16xi32>
    %and3A_891 = arith.andi %get3A_885, %broadcast_in_dim3A_890 : vector<16xi32>
    %gather3A_892 = tpu.vector_load_idx %arg10[%add3A_888, %and3A_891] : memref<512x16xf32, #tpu.memory_space<vmem>>[vector<16xi32>, vector<16xi32>], vector<16xf32>,
    %swap3A_893 = arith.constant 448 : index
    %swap3A_894 = tpu.vector_load %arg11[%swap3A_893] {strides = array<i32>} : memref<512xf32, #tpu.memory_space<vmem>>, vector<16xf32>,
    tpu.vector_store %arg11[%swap3A_893], %gather3A_892 {strides = array<i32>} : memref<512xf32, #tpu.memory_space<vmem>>, vector<16xf32>,
    %get3A_895 = arith.constant 3 : i32
    %get3A_896 = arith.index_cast %get3A_895 : i32 to index
    %get3A_897 = arith.constant 80 : index
    %get3A_898 = tpu.vector_load %arg7[%get3A_896, %get3A_897] {strides = array<i32>} : memref<4x128xi32, #tpu.memory_space<vmem>>, vector<16xi32>,
    %broadcast_in_dim3A_899 = arith.constant 464 : i32
    %broadcast_in_dim3A_900 = vector.broadcast %broadcast_in_dim3A_899 : i32 to vector<16xi32>
    %add3A_901 = arith.addi %broadcast_in_dim3A_900, %iota3A : vector<16xi32>
    %broadcast_in_dim3A_902 = arith.constant 15 : i32
    %broadcast_in_dim3A_903 = vector.broadcast %broadcast_in_dim3A_902 : i32 to vector<16xi32>
    %and3A_904 = arith.andi %get3A_898, %broadcast_in_dim3A_903 : vector<16xi32>
    %gather3A_905 = tpu.vector_load_idx %arg10[%add3A_901, %and3A_904] : memref<512x16xf32, #tpu.memory_space<vmem>>[vector<16xi32>, vector<16xi32>], vector<16xf32>,
    %swap3A_906 = arith.constant 464 : index
    %swap3A_907 = tpu.vector_load %arg11[%swap3A_906] {strides = array<i32>} : memref<512xf32, #tpu.memory_space<vmem>>, vector<16xf32>,
    tpu.vector_store %arg11[%swap3A_906], %gather3A_905 {strides = array<i32>} : memref<512xf32, #tpu.memory_space<vmem>>, vector<16xf32>,
    %get3A_908 = arith.constant 3 : i32
    %get3A_909 = arith.index_cast %get3A_908 : i32 to index
    %get3A_910 = arith.constant 96 : index
    %get3A_911 = tpu.vector_load %arg7[%get3A_909, %get3A_910] {strides = array<i32>} : memref<4x128xi32, #tpu.memory_space<vmem>>, vector<16xi32>,
    %broadcast_in_dim3A_912 = arith.constant 480 : i32
    %broadcast_in_dim3A_913 = vector.broadcast %broadcast_in_dim3A_912 : i32 to vector<16xi32>
    %add3A_914 = arith.addi %broadcast_in_dim3A_913, %iota3A : vector<16xi32>
    %broadcast_in_dim3A_915 = arith.constant 15 : i32
    %broadcast_in_dim3A_916 = vector.broadcast %broadcast_in_dim3A_915 : i32 to vector<16xi32>
    %and3A_917 = arith.andi %get3A_911, %broadcast_in_dim3A_916 : vector<16xi32>
    %gather3A_918 = tpu.vector_load_idx %arg10[%add3A_914, %and3A_917] : memref<512x16xf32, #tpu.memory_space<vmem>>[vector<16xi32>, vector<16xi32>], vector<16xf32>,
    %swap3A_919 = arith.constant 480 : index
    %swap3A_920 = tpu.vector_load %arg11[%swap3A_919] {strides = array<i32>} : memref<512xf32, #tpu.memory_space<vmem>>, vector<16xf32>,
    tpu.vector_store %arg11[%swap3A_919], %gather3A_918 {strides = array<i32>} : memref<512xf32, #tpu.memory_space<vmem>>, vector<16xf32>,
    %get3A_921 = arith.constant 3 : i32
    %get3A_922 = arith.index_cast %get3A_921 : i32 to index
    %get3A_923 = arith.constant 112 : index
    %get3A_924 = tpu.vector_load %arg7[%get3A_922, %get3A_923] {strides = array<i32>} : memref<4x128xi32, #tpu.memory_space<vmem>>, vector<16xi32>,
    %broadcast_in_dim3A_925 = arith.constant 496 : i32
    %broadcast_in_dim3A_926 = vector.broadcast %broadcast_in_dim3A_925 : i32 to vector<16xi32>
    %add3A_927 = arith.addi %broadcast_in_dim3A_926, %iota3A : vector<16xi32>
    %broadcast_in_dim3A_928 = arith.constant 15 : i32
    %broadcast_in_dim3A_929 = vector.broadcast %broadcast_in_dim3A_928 : i32 to vector<16xi32>
    %and3A_930 = arith.andi %get3A_924, %broadcast_in_dim3A_929 : vector<16xi32>
    %gather3A_931 = tpu.vector_load_idx %arg10[%add3A_927, %and3A_930] : memref<512x16xf32, #tpu.memory_space<vmem>>[vector<16xi32>, vector<16xi32>], vector<16xf32>,
    %swap3A_932 = arith.constant 496 : index
    %swap3A_933 = tpu.vector_load %arg11[%swap3A_932] {strides = array<i32>} : memref<512xf32, #tpu.memory_space<vmem>>, vector<16xf32>,
    tpu.vector_store %arg11[%swap3A_932], %gather3A_931 {strides = array<i32>} : memref<512xf32, #tpu.memory_space<vmem>>, vector<16xf32>,
    "tpu.region"() ({
      %run_scoped3A_934 = tpu.sem_alloc : memref<!tpu.dma_semaphore, #tpu.memory_space<semaphore_mem>>
      %dma_start3A_935 = arith.constant 0 : i32
      %dma_start3A_936 = tpu.memref_slice %arg5[%mul3A_2, %dma_start3A_935] : memref<16384x64xf32, #tpu.memory_space<hbm>> -> memref<512x64xf32, #tpu.memory_space<hbm>>
      %dma_start3A_937 = arith.constant 0 : i32
      %dma_start3A_938 = tpu.memref_slice %arg5[%mul3A_2, %dma_start3A_937] : memref<16384x64xf32, #tpu.memory_space<hbm>> -> memref<512x64xf32, #tpu.memory_space<hbm>>
      tpu.enqueue_dma source(%arg9 : memref<512x64xf32, #tpu.memory_space<vmem>>) target(%dma_start3A_938 : memref<512x64xf32, #tpu.memory_space<hbm>>) target_semaphore(%run_scoped3A_934 : memref<!tpu.dma_semaphore, #tpu.memory_space<semaphore_mem>>)
      %dma_wait3A_939 = arith.constant 0 : i32
      %dma_wait3A_940 = tpu.memref_slice %arg5[%mul3A_2, %dma_wait3A_939] : memref<16384x64xf32, #tpu.memory_space<hbm>> -> memref<512x64xf32, #tpu.memory_space<hbm>>
      %dma_wait3A_941 = arith.constant 0 : i32
      %dma_wait3A_942 = tpu.memref_slice %arg5[%mul3A_2, %dma_wait3A_941] : memref<16384x64xf32, #tpu.memory_space<hbm>> -> memref<512x64xf32, #tpu.memory_space<hbm>>
      tpu.wait_dma2 semaphore(%run_scoped3A_934 : memref<!tpu.dma_semaphore, #tpu.memory_space<semaphore_mem>>) src(%arg9 : memref<512x64xf32, #tpu.memory_space<vmem>>) dst(%dma_wait3A_942 : memref<512x64xf32, #tpu.memory_space<hbm>>)
      tpu.yield
    }) : () -> ()
    "tpu.region"() ({
      %run_scoped3A_934 = tpu.sem_alloc : memref<!tpu.dma_semaphore, #tpu.memory_space<semaphore_mem>>
      %dma_start3A_935 = tpu.memref_slice %arg6[%mul3A_2] : memref<16384xf32, #tpu.memory_space<hbm>> -> memref<512xf32, #tpu.memory_space<hbm>>
      %dma_start3A_936 = tpu.memref_slice %arg6[%mul3A_2] : memref<16384xf32, #tpu.memory_space<hbm>> -> memref<512xf32, #tpu.memory_space<hbm>>
      tpu.enqueue_dma source(%arg11 : memref<512xf32, #tpu.memory_space<vmem>>) target(%dma_start3A_936 : memref<512xf32, #tpu.memory_space<hbm>>) target_semaphore(%run_scoped3A_934 : memref<!tpu.dma_semaphore, #tpu.memory_space<semaphore_mem>>)
      %dma_wait3A_937 = tpu.memref_slice %arg6[%mul3A_2] : memref<16384xf32, #tpu.memory_space<hbm>> -> memref<512xf32, #tpu.memory_space<hbm>>
      %dma_wait3A_938 = tpu.memref_slice %arg6[%mul3A_2] : memref<16384xf32, #tpu.memory_space<hbm>> -> memref<512xf32, #tpu.memory_space<hbm>>
      tpu.wait_dma2 semaphore(%run_scoped3A_934 : memref<!tpu.dma_semaphore, #tpu.memory_space<semaphore_mem>>) src(%arg11 : memref<512xf32, #tpu.memory_space<vmem>>) dst(%dma_wait3A_938 : memref<512xf32, #tpu.memory_space<hbm>>)
      tpu.yield
    }) : () -> ()
    return
  }
}

module attributes {stable_mosaic.version = 14 : i64} {
  func.func @_tc_spline_body(%arg0: i32, %arg1: memref<2048x1xf32, #tpu.memory_space<vmem>>, %arg2: memref<2048x1xi32, #tpu.memory_space<vmem>>, %arg3: memref<2048x64xf32, #tpu.memory_space<vmem>>, %arg4: memref<2048x1xf32, #tpu.memory_space<vmem>>, %arg5: memref<64x64xf32, #tpu.memory_space<vmem>>, %arg6: memref<64x1xf32, #tpu.memory_space<vmem>>, %arg7: memref<2048x64xf32, #tpu.memory_space<vmem>>, %arg8: memref<2048x1xf32, #tpu.memory_space<vmem>>) attributes {dimension_semantics = [#tpu.dimension_semantics<arbitrary>], iteration_bounds = array<i64: 8>, scalar_prefetch = 0 : i64, scratch_operands = 0 : i64, tpu.core_type = #tpu.core_type<tc>, window_params = [{transform_indices = @transform_0, window_bounds = array<i64: 2048, 1>}, {transform_indices = @transform_1, window_bounds = array<i64: 2048, 1>}, {transform_indices = @transform_2, window_bounds = array<i64: 2048, 64>}, {transform_indices = @transform_3, window_bounds = array<i64: 2048, 1>}, {pipeline_mode = #tpu.pipeline_mode<synchronous>, transform_indices = @transform_4, window_bounds = array<i64: 64, 64>}, {pipeline_mode = #tpu.pipeline_mode<synchronous>, transform_indices = @transform_5, window_bounds = array<i64: 64, 1>}, {transform_indices = @transform_6, window_bounds = array<i64: 2048, 64>}, {transform_indices = @transform_7, window_bounds = array<i64: 2048, 1>}]} {
    %get3A = arith.constant 0 : index
    %get3A_0 = arith.constant 0 : index
    %get3A_1 = vector.load %arg1[%get3A, %get3A_0] : memref<2048x1xf32, #tpu.memory_space<vmem>>, vector<2048x1xf32>
    %logistic3A = arith.negf %get3A_1 : vector<2048x1xf32>
    %logistic3A_2 = math.exp %logistic3A : vector<2048x1xf32>
    %logistic3A_3 = arith.constant 1.000000e+00 : f32
    %logistic3A_4 = vector.broadcast %logistic3A_3 : f32 to vector<2048x1xf32>
    %logistic3A_5 = arith.addf %logistic3A_4, %logistic3A_2 : vector<2048x1xf32>
    %logistic3A_6 = arith.divf %logistic3A_4, %logistic3A_5 : vector<2048x1xf32>
    %jit3A = arith.constant 9.99999997E-7 : f32
    %jit3A_7 = arith.constant 0.999998986 : f32
    %max3A = vector.broadcast %jit3A : f32 to vector<2048x1xf32>
    %max3A_8 = arith.maximumf %max3A, %logistic3A_6 : vector<2048x1xf32>
    %min3A = vector.broadcast %jit3A_7 : f32 to vector<2048x1xf32>
    %min3A_9 = arith.minimumf %min3A, %max3A_8 : vector<2048x1xf32>
    %iota3A = tpu.iota {dimensions = array<i32: 1>} : vector<1x67xi32>
    %convert_element_type3A = arith.sitofp %iota3A : vector<1x67xi32> to vector<1x67xf32>
    %sub3A = arith.constant 3.000000e+00 : f32
    %sub3A_10 = vector.broadcast %sub3A : f32 to vector<1x67xf32>
    %sub3A_11 = arith.subf %convert_element_type3A, %sub3A_10 : vector<1x67xf32>
    %mul3A = arith.constant 0.0163934417 : f32
    %mul3A_12 = vector.broadcast %mul3A : f32 to vector<1x67xf32>
    %mul3A_13 = arith.mulf %sub3A_11, %mul3A_12 : vector<1x67xf32>
    %jit3A_14 = arith.constant 0.000000e+00 : f32
    %jit3A_15 = arith.constant 1.000000e+00 : f32
    %max3A_16 = vector.broadcast %jit3A_14 : f32 to vector<1x67xf32>
    %max3A_17 = arith.maximumf %max3A_16, %mul3A_13 : vector<1x67xf32>
    %min3A_18 = vector.broadcast %jit3A_15 : f32 to vector<1x67xf32>
    %min3A_19 = arith.minimumf %min3A_18, %max3A_17 : vector<1x67xf32>
    %ge3A = vector.broadcast %min3A_9 : vector<2048x1xf32> to vector<2048x67xf32>
    %ge3A_20 = vector.broadcast %min3A_19 : vector<1x67xf32> to vector<2048x67xf32>
    %ge3A_21 = arith.cmpf oge, %ge3A, %ge3A_20 : vector<2048x67xf32>
    %add3A = arith.constant 1.000000e+00 : f32
    %add3A_22 = vector.broadcast %add3A : f32 to vector<1x67xf32>
    %add3A_23 = arith.addf %convert_element_type3A, %add3A_22 : vector<1x67xf32>
    %sub3A_24 = arith.constant 3.000000e+00 : f32
    %sub3A_25 = vector.broadcast %sub3A_24 : f32 to vector<1x67xf32>
    %sub3A_26 = arith.subf %add3A_23, %sub3A_25 : vector<1x67xf32>
    %mul3A_27 = arith.constant 0.0163934417 : f32
    %mul3A_28 = vector.broadcast %mul3A_27 : f32 to vector<1x67xf32>
    %mul3A_29 = arith.mulf %sub3A_26, %mul3A_28 : vector<1x67xf32>
    %jit3A_30 = arith.constant 0.000000e+00 : f32
    %jit3A_31 = arith.constant 1.000000e+00 : f32
    %max3A_32 = vector.broadcast %jit3A_30 : f32 to vector<1x67xf32>
    %max3A_33 = arith.maximumf %max3A_32, %mul3A_29 : vector<1x67xf32>
    %min3A_34 = vector.broadcast %jit3A_31 : f32 to vector<1x67xf32>
    %min3A_35 = arith.minimumf %min3A_34, %max3A_33 : vector<1x67xf32>
    %lt3A = vector.broadcast %min3A_9 : vector<2048x1xf32> to vector<2048x67xf32>
    %lt3A_36 = vector.broadcast %min3A_35 : vector<1x67xf32> to vector<2048x67xf32>
    %lt3A_37 = arith.cmpf olt, %lt3A, %lt3A_36 : vector<2048x67xf32>
    %and3A = arith.andi %ge3A_21, %lt3A_37 : vector<2048x67xi1>
    %jit3A_38 = arith.constant 1.000000e+00 : f32
    %jit3A_39 = arith.constant 0.000000e+00 : f32
    %broadcast_in_dim3A = vector.broadcast %jit3A_38 : f32 to vector<2048x67xf32>
    %broadcast_in_dim3A_40 = vector.broadcast %jit3A_39 : f32 to vector<2048x67xf32>
    %select_n3A = arith.select %and3A, %broadcast_in_dim3A, %broadcast_in_dim3A_40 : vector<2048x67xi1>, vector<2048x67xf32>
    %iota3A_41 = tpu.iota {dimensions = array<i32: 1>} : vector<1x66xi32>
    %convert_element_type3A_42 = arith.sitofp %iota3A_41 : vector<1x66xi32> to vector<1x66xf32>
    %sub3A_43 = arith.constant 3.000000e+00 : f32
    %sub3A_44 = vector.broadcast %sub3A_43 : f32 to vector<1x66xf32>
    %sub3A_45 = arith.subf %convert_element_type3A_42, %sub3A_44 : vector<1x66xf32>
    %mul3A_46 = arith.constant 0.0163934417 : f32
    %mul3A_47 = vector.broadcast %mul3A_46 : f32 to vector<1x66xf32>
    %mul3A_48 = arith.mulf %sub3A_45, %mul3A_47 : vector<1x66xf32>
    %jit3A_49 = arith.constant 0.000000e+00 : f32
    %jit3A_50 = arith.constant 1.000000e+00 : f32
    %max3A_51 = vector.broadcast %jit3A_49 : f32 to vector<1x66xf32>
    %max3A_52 = arith.maximumf %max3A_51, %mul3A_48 : vector<1x66xf32>
    %min3A_53 = vector.broadcast %jit3A_50 : f32 to vector<1x66xf32>
    %min3A_54 = arith.minimumf %min3A_53, %max3A_52 : vector<1x66xf32>
    %add3A_55 = arith.constant 1.000000e+00 : f32
    %add3A_56 = vector.broadcast %add3A_55 : f32 to vector<1x66xf32>
    %add3A_57 = arith.addf %convert_element_type3A_42, %add3A_56 : vector<1x66xf32>
    %sub3A_58 = arith.constant 3.000000e+00 : f32
    %sub3A_59 = vector.broadcast %sub3A_58 : f32 to vector<1x66xf32>
    %sub3A_60 = arith.subf %add3A_57, %sub3A_59 : vector<1x66xf32>
    %mul3A_61 = arith.constant 0.0163934417 : f32
    %mul3A_62 = vector.broadcast %mul3A_61 : f32 to vector<1x66xf32>
    %mul3A_63 = arith.mulf %sub3A_60, %mul3A_62 : vector<1x66xf32>
    %jit3A_64 = arith.constant 0.000000e+00 : f32
    %jit3A_65 = arith.constant 1.000000e+00 : f32
    %max3A_66 = vector.broadcast %jit3A_64 : f32 to vector<1x66xf32>
    %max3A_67 = arith.maximumf %max3A_66, %mul3A_63 : vector<1x66xf32>
    %min3A_68 = vector.broadcast %jit3A_65 : f32 to vector<1x66xf32>
    %min3A_69 = arith.minimumf %min3A_68, %max3A_67 : vector<1x66xf32>
    %add3A_70 = arith.constant 1.000000e+00 : f32
    %add3A_71 = vector.broadcast %add3A_70 : f32 to vector<1x66xf32>
    %add3A_72 = arith.addf %convert_element_type3A_42, %add3A_71 : vector<1x66xf32>
    %sub3A_73 = arith.constant 3.000000e+00 : f32
    %sub3A_74 = vector.broadcast %sub3A_73 : f32 to vector<1x66xf32>
    %sub3A_75 = arith.subf %add3A_72, %sub3A_74 : vector<1x66xf32>
    %mul3A_76 = arith.constant 0.0163934417 : f32
    %mul3A_77 = vector.broadcast %mul3A_76 : f32 to vector<1x66xf32>
    %mul3A_78 = arith.mulf %sub3A_75, %mul3A_77 : vector<1x66xf32>
    %jit3A_79 = arith.constant 0.000000e+00 : f32
    %jit3A_80 = arith.constant 1.000000e+00 : f32
    %max3A_81 = vector.broadcast %jit3A_79 : f32 to vector<1x66xf32>
    %max3A_82 = arith.maximumf %max3A_81, %mul3A_78 : vector<1x66xf32>
    %min3A_83 = vector.broadcast %jit3A_80 : f32 to vector<1x66xf32>
    %min3A_84 = arith.minimumf %min3A_83, %max3A_82 : vector<1x66xf32>
    %add3A_85 = arith.constant 2.000000e+00 : f32
    %add3A_86 = vector.broadcast %add3A_85 : f32 to vector<1x66xf32>
    %add3A_87 = arith.addf %convert_element_type3A_42, %add3A_86 : vector<1x66xf32>
    %sub3A_88 = arith.constant 3.000000e+00 : f32
    %sub3A_89 = vector.broadcast %sub3A_88 : f32 to vector<1x66xf32>
    %sub3A_90 = arith.subf %add3A_87, %sub3A_89 : vector<1x66xf32>
    %mul3A_91 = arith.constant 0.0163934417 : f32
    %mul3A_92 = vector.broadcast %mul3A_91 : f32 to vector<1x66xf32>
    %mul3A_93 = arith.mulf %sub3A_90, %mul3A_92 : vector<1x66xf32>
    %jit3A_94 = arith.constant 0.000000e+00 : f32
    %jit3A_95 = arith.constant 1.000000e+00 : f32
    %max3A_96 = vector.broadcast %jit3A_94 : f32 to vector<1x66xf32>
    %max3A_97 = arith.maximumf %max3A_96, %mul3A_93 : vector<1x66xf32>
    %min3A_98 = vector.broadcast %jit3A_95 : f32 to vector<1x66xf32>
    %min3A_99 = arith.minimumf %min3A_98, %max3A_97 : vector<1x66xf32>
    %sub3A_100 = arith.subf %min3A_69, %min3A_54 : vector<1x66xf32>
    %sub3A_101 = arith.subf %min3A_99, %min3A_84 : vector<1x66xf32>
    %gt3A = arith.constant 0.000000e+00 : f32
    %gt3A_102 = vector.broadcast %gt3A : f32 to vector<1x66xf32>
    %gt3A_103 = arith.cmpf ogt, %sub3A_100, %gt3A_102 : vector<1x66xf32>
    %gt3A_104 = arith.constant 0.000000e+00 : f32
    %gt3A_105 = vector.broadcast %gt3A_104 : f32 to vector<1x66xf32>
    %gt3A_106 = arith.cmpf ogt, %sub3A_100, %gt3A_105 : vector<1x66xf32>
    %jit3A_107 = arith.constant 1.000000e+00 : f32
    %broadcast_in_dim3A_108 = vector.broadcast %jit3A_107 : f32 to vector<1x66xf32>
    %select_n3A_109 = arith.select %gt3A_106, %sub3A_100, %broadcast_in_dim3A_108 : vector<1x66xi1>, vector<1x66xf32>
    %div3A = arith.constant 1.000000e+00 : f32
    %div3A_110 = vector.broadcast %div3A : f32 to vector<1x66xf32>
    %div3A_111 = arith.divf %div3A_110, %select_n3A_109 : vector<1x66xf32>
    %jit3A_112 = arith.constant 0.000000e+00 : f32
    %broadcast_in_dim3A_113 = vector.broadcast %jit3A_112 : f32 to vector<1x66xf32>
    %select_n3A_114 = arith.select %gt3A_103, %div3A_111, %broadcast_in_dim3A_113 : vector<1x66xi1>, vector<1x66xf32>
    %gt3A_115 = arith.constant 0.000000e+00 : f32
    %gt3A_116 = vector.broadcast %gt3A_115 : f32 to vector<1x66xf32>
    %gt3A_117 = arith.cmpf ogt, %sub3A_101, %gt3A_116 : vector<1x66xf32>
    %gt3A_118 = arith.constant 0.000000e+00 : f32
    %gt3A_119 = vector.broadcast %gt3A_118 : f32 to vector<1x66xf32>
    %gt3A_120 = arith.cmpf ogt, %sub3A_101, %gt3A_119 : vector<1x66xf32>
    %jit3A_121 = arith.constant 1.000000e+00 : f32
    %broadcast_in_dim3A_122 = vector.broadcast %jit3A_121 : f32 to vector<1x66xf32>
    %select_n3A_123 = arith.select %gt3A_120, %sub3A_101, %broadcast_in_dim3A_122 : vector<1x66xi1>, vector<1x66xf32>
    %div3A_124 = arith.constant 1.000000e+00 : f32
    %div3A_125 = vector.broadcast %div3A_124 : f32 to vector<1x66xf32>
    %div3A_126 = arith.divf %div3A_125, %select_n3A_123 : vector<1x66xf32>
    %jit3A_127 = arith.constant 0.000000e+00 : f32
    %broadcast_in_dim3A_128 = vector.broadcast %jit3A_127 : f32 to vector<1x66xf32>
    %select_n3A_129 = arith.select %gt3A_117, %div3A_126, %broadcast_in_dim3A_128 : vector<1x66xi1>, vector<1x66xf32>
    %sub3A_130 = vector.broadcast %min3A_9 : vector<2048x1xf32> to vector<2048x66xf32>
    %sub3A_131 = vector.broadcast %min3A_54 : vector<1x66xf32> to vector<2048x66xf32>
    %sub3A_132 = arith.subf %sub3A_130, %sub3A_131 : vector<2048x66xf32>
    %mul3A_133 = vector.broadcast %select_n3A_114 : vector<1x66xf32> to vector<2048x66xf32>
    %mul3A_134 = arith.mulf %sub3A_132, %mul3A_133 : vector<2048x66xf32>
    %slice3A = vector.extract_strided_slice %select_n3A {offsets = [0, 0], sizes = [2048, 66], strides = [1, 1]} : vector<2048x67xf32> to vector<2048x66xf32>
    %mul3A_135 = arith.mulf %mul3A_134, %slice3A : vector<2048x66xf32>
    %sub3A_136 = vector.broadcast %min3A_99 : vector<1x66xf32> to vector<2048x66xf32>
    %sub3A_137 = vector.broadcast %min3A_9 : vector<2048x1xf32> to vector<2048x66xf32>
    %sub3A_138 = arith.subf %sub3A_136, %sub3A_137 : vector<2048x66xf32>
    %mul3A_139 = vector.broadcast %select_n3A_129 : vector<1x66xf32> to vector<2048x66xf32>
    %mul3A_140 = arith.mulf %sub3A_138, %mul3A_139 : vector<2048x66xf32>
    %slice3A_141 = vector.extract_strided_slice %select_n3A {offsets = [0, 1], sizes = [2048, 66], strides = [1, 1]} : vector<2048x67xf32> to vector<2048x66xf32>
    %mul3A_142 = arith.mulf %mul3A_140, %slice3A_141 : vector<2048x66xf32>
    %add3A_143 = arith.addf %mul3A_135, %mul3A_142 : vector<2048x66xf32>
    %iota3A_144 = tpu.iota {dimensions = array<i32: 1>} : vector<1x65xi32>
    %convert_element_type3A_145 = arith.sitofp %iota3A_144 : vector<1x65xi32> to vector<1x65xf32>
    %sub3A_146 = arith.constant 3.000000e+00 : f32
    %sub3A_147 = vector.broadcast %sub3A_146 : f32 to vector<1x65xf32>
    %sub3A_148 = arith.subf %convert_element_type3A_145, %sub3A_147 : vector<1x65xf32>
    %mul3A_149 = arith.constant 0.0163934417 : f32
    %mul3A_150 = vector.broadcast %mul3A_149 : f32 to vector<1x65xf32>
    %mul3A_151 = arith.mulf %sub3A_148, %mul3A_150 : vector<1x65xf32>
    %jit3A_152 = arith.constant 0.000000e+00 : f32
    %jit3A_153 = arith.constant 1.000000e+00 : f32
    %max3A_154 = vector.broadcast %jit3A_152 : f32 to vector<1x65xf32>
    %max3A_155 = arith.maximumf %max3A_154, %mul3A_151 : vector<1x65xf32>
    %min3A_156 = vector.broadcast %jit3A_153 : f32 to vector<1x65xf32>
    %min3A_157 = arith.minimumf %min3A_156, %max3A_155 : vector<1x65xf32>
    %add3A_158 = arith.constant 2.000000e+00 : f32
    %add3A_159 = vector.broadcast %add3A_158 : f32 to vector<1x65xf32>
    %add3A_160 = arith.addf %convert_element_type3A_145, %add3A_159 : vector<1x65xf32>
    %sub3A_161 = arith.constant 3.000000e+00 : f32
    %sub3A_162 = vector.broadcast %sub3A_161 : f32 to vector<1x65xf32>
    %sub3A_163 = arith.subf %add3A_160, %sub3A_162 : vector<1x65xf32>
    %mul3A_164 = arith.constant 0.0163934417 : f32
    %mul3A_165 = vector.broadcast %mul3A_164 : f32 to vector<1x65xf32>
    %mul3A_166 = arith.mulf %sub3A_163, %mul3A_165 : vector<1x65xf32>
    %jit3A_167 = arith.constant 0.000000e+00 : f32
    %jit3A_168 = arith.constant 1.000000e+00 : f32
    %max3A_169 = vector.broadcast %jit3A_167 : f32 to vector<1x65xf32>
    %max3A_170 = arith.maximumf %max3A_169, %mul3A_166 : vector<1x65xf32>
    %min3A_171 = vector.broadcast %jit3A_168 : f32 to vector<1x65xf32>
    %min3A_172 = arith.minimumf %min3A_171, %max3A_170 : vector<1x65xf32>
    %add3A_173 = arith.constant 1.000000e+00 : f32
    %add3A_174 = vector.broadcast %add3A_173 : f32 to vector<1x65xf32>
    %add3A_175 = arith.addf %convert_element_type3A_145, %add3A_174 : vector<1x65xf32>
    %sub3A_176 = arith.constant 3.000000e+00 : f32
    %sub3A_177 = vector.broadcast %sub3A_176 : f32 to vector<1x65xf32>
    %sub3A_178 = arith.subf %add3A_175, %sub3A_177 : vector<1x65xf32>
    %mul3A_179 = arith.constant 0.0163934417 : f32
    %mul3A_180 = vector.broadcast %mul3A_179 : f32 to vector<1x65xf32>
    %mul3A_181 = arith.mulf %sub3A_178, %mul3A_180 : vector<1x65xf32>
    %jit3A_182 = arith.constant 0.000000e+00 : f32
    %jit3A_183 = arith.constant 1.000000e+00 : f32
    %max3A_184 = vector.broadcast %jit3A_182 : f32 to vector<1x65xf32>
    %max3A_185 = arith.maximumf %max3A_184, %mul3A_181 : vector<1x65xf32>
    %min3A_186 = vector.broadcast %jit3A_183 : f32 to vector<1x65xf32>
    %min3A_187 = arith.minimumf %min3A_186, %max3A_185 : vector<1x65xf32>
    %add3A_188 = arith.constant 3.000000e+00 : f32
    %add3A_189 = vector.broadcast %add3A_188 : f32 to vector<1x65xf32>
    %add3A_190 = arith.addf %convert_element_type3A_145, %add3A_189 : vector<1x65xf32>
    %sub3A_191 = arith.constant 3.000000e+00 : f32
    %sub3A_192 = vector.broadcast %sub3A_191 : f32 to vector<1x65xf32>
    %sub3A_193 = arith.subf %add3A_190, %sub3A_192 : vector<1x65xf32>
    %mul3A_194 = arith.constant 0.0163934417 : f32
    %mul3A_195 = vector.broadcast %mul3A_194 : f32 to vector<1x65xf32>
    %mul3A_196 = arith.mulf %sub3A_193, %mul3A_195 : vector<1x65xf32>
    %jit3A_197 = arith.constant 0.000000e+00 : f32
    %jit3A_198 = arith.constant 1.000000e+00 : f32
    %max3A_199 = vector.broadcast %jit3A_197 : f32 to vector<1x65xf32>
    %max3A_200 = arith.maximumf %max3A_199, %mul3A_196 : vector<1x65xf32>
    %min3A_201 = vector.broadcast %jit3A_198 : f32 to vector<1x65xf32>
    %min3A_202 = arith.minimumf %min3A_201, %max3A_200 : vector<1x65xf32>
    %sub3A_203 = arith.subf %min3A_172, %min3A_157 : vector<1x65xf32>
    %sub3A_204 = arith.subf %min3A_202, %min3A_187 : vector<1x65xf32>
    %gt3A_205 = arith.constant 0.000000e+00 : f32
    %gt3A_206 = vector.broadcast %gt3A_205 : f32 to vector<1x65xf32>
    %gt3A_207 = arith.cmpf ogt, %sub3A_203, %gt3A_206 : vector<1x65xf32>
    %gt3A_208 = arith.constant 0.000000e+00 : f32
    %gt3A_209 = vector.broadcast %gt3A_208 : f32 to vector<1x65xf32>
    %gt3A_210 = arith.cmpf ogt, %sub3A_203, %gt3A_209 : vector<1x65xf32>
    %jit3A_211 = arith.constant 1.000000e+00 : f32
    %broadcast_in_dim3A_212 = vector.broadcast %jit3A_211 : f32 to vector<1x65xf32>
    %select_n3A_213 = arith.select %gt3A_210, %sub3A_203, %broadcast_in_dim3A_212 : vector<1x65xi1>, vector<1x65xf32>
    %div3A_214 = arith.constant 1.000000e+00 : f32
    %div3A_215 = vector.broadcast %div3A_214 : f32 to vector<1x65xf32>
    %div3A_216 = arith.divf %div3A_215, %select_n3A_213 : vector<1x65xf32>
    %jit3A_217 = arith.constant 0.000000e+00 : f32
    %broadcast_in_dim3A_218 = vector.broadcast %jit3A_217 : f32 to vector<1x65xf32>
    %select_n3A_219 = arith.select %gt3A_207, %div3A_216, %broadcast_in_dim3A_218 : vector<1x65xi1>, vector<1x65xf32>
    %gt3A_220 = arith.constant 0.000000e+00 : f32
    %gt3A_221 = vector.broadcast %gt3A_220 : f32 to vector<1x65xf32>
    %gt3A_222 = arith.cmpf ogt, %sub3A_204, %gt3A_221 : vector<1x65xf32>
    %gt3A_223 = arith.constant 0.000000e+00 : f32
    %gt3A_224 = vector.broadcast %gt3A_223 : f32 to vector<1x65xf32>
    %gt3A_225 = arith.cmpf ogt, %sub3A_204, %gt3A_224 : vector<1x65xf32>
    %jit3A_226 = arith.constant 1.000000e+00 : f32
    %broadcast_in_dim3A_227 = vector.broadcast %jit3A_226 : f32 to vector<1x65xf32>
    %select_n3A_228 = arith.select %gt3A_225, %sub3A_204, %broadcast_in_dim3A_227 : vector<1x65xi1>, vector<1x65xf32>
    %div3A_229 = arith.constant 1.000000e+00 : f32
    %div3A_230 = vector.broadcast %div3A_229 : f32 to vector<1x65xf32>
    %div3A_231 = arith.divf %div3A_230, %select_n3A_228 : vector<1x65xf32>
    %jit3A_232 = arith.constant 0.000000e+00 : f32
    %broadcast_in_dim3A_233 = vector.broadcast %jit3A_232 : f32 to vector<1x65xf32>
    %select_n3A_234 = arith.select %gt3A_222, %div3A_231, %broadcast_in_dim3A_233 : vector<1x65xi1>, vector<1x65xf32>
    %sub3A_235 = vector.broadcast %min3A_9 : vector<2048x1xf32> to vector<2048x65xf32>
    %sub3A_236 = vector.broadcast %min3A_157 : vector<1x65xf32> to vector<2048x65xf32>
    %sub3A_237 = arith.subf %sub3A_235, %sub3A_236 : vector<2048x65xf32>
    %mul3A_238 = vector.broadcast %select_n3A_219 : vector<1x65xf32> to vector<2048x65xf32>
    %mul3A_239 = arith.mulf %sub3A_237, %mul3A_238 : vector<2048x65xf32>
    %slice3A_240 = vector.extract_strided_slice %add3A_143 {offsets = [0, 0], sizes = [2048, 65], strides = [1, 1]} : vector<2048x66xf32> to vector<2048x65xf32>
    %mul3A_241 = arith.mulf %mul3A_239, %slice3A_240 : vector<2048x65xf32>
    %sub3A_242 = vector.broadcast %min3A_202 : vector<1x65xf32> to vector<2048x65xf32>
    %sub3A_243 = vector.broadcast %min3A_9 : vector<2048x1xf32> to vector<2048x65xf32>
    %sub3A_244 = arith.subf %sub3A_242, %sub3A_243 : vector<2048x65xf32>
    %mul3A_245 = vector.broadcast %select_n3A_234 : vector<1x65xf32> to vector<2048x65xf32>
    %mul3A_246 = arith.mulf %sub3A_244, %mul3A_245 : vector<2048x65xf32>
    %slice3A_247 = vector.extract_strided_slice %add3A_143 {offsets = [0, 1], sizes = [2048, 65], strides = [1, 1]} : vector<2048x66xf32> to vector<2048x65xf32>
    %mul3A_248 = arith.mulf %mul3A_246, %slice3A_247 : vector<2048x65xf32>
    %add3A_249 = arith.addf %mul3A_241, %mul3A_248 : vector<2048x65xf32>
    %iota3A_250 = tpu.iota {dimensions = array<i32: 1>} : vector<1x64xi32>
    %convert_element_type3A_251 = arith.sitofp %iota3A_250 : vector<1x64xi32> to vector<1x64xf32>
    %sub3A_252 = arith.constant 3.000000e+00 : f32
    %sub3A_253 = vector.broadcast %sub3A_252 : f32 to vector<1x64xf32>
    %sub3A_254 = arith.subf %convert_element_type3A_251, %sub3A_253 : vector<1x64xf32>
    %mul3A_255 = arith.constant 0.0163934417 : f32
    %mul3A_256 = vector.broadcast %mul3A_255 : f32 to vector<1x64xf32>
    %mul3A_257 = arith.mulf %sub3A_254, %mul3A_256 : vector<1x64xf32>
    %jit3A_258 = arith.constant 0.000000e+00 : f32
    %jit3A_259 = arith.constant 1.000000e+00 : f32
    %max3A_260 = vector.broadcast %jit3A_258 : f32 to vector<1x64xf32>
    %max3A_261 = arith.maximumf %max3A_260, %mul3A_257 : vector<1x64xf32>
    %min3A_262 = vector.broadcast %jit3A_259 : f32 to vector<1x64xf32>
    %min3A_263 = arith.minimumf %min3A_262, %max3A_261 : vector<1x64xf32>
    %add3A_264 = arith.constant 3.000000e+00 : f32
    %add3A_265 = vector.broadcast %add3A_264 : f32 to vector<1x64xf32>
    %add3A_266 = arith.addf %convert_element_type3A_251, %add3A_265 : vector<1x64xf32>
    %sub3A_267 = arith.constant 3.000000e+00 : f32
    %sub3A_268 = vector.broadcast %sub3A_267 : f32 to vector<1x64xf32>
    %sub3A_269 = arith.subf %add3A_266, %sub3A_268 : vector<1x64xf32>
    %mul3A_270 = arith.constant 0.0163934417 : f32
    %mul3A_271 = vector.broadcast %mul3A_270 : f32 to vector<1x64xf32>
    %mul3A_272 = arith.mulf %sub3A_269, %mul3A_271 : vector<1x64xf32>
    %jit3A_273 = arith.constant 0.000000e+00 : f32
    %jit3A_274 = arith.constant 1.000000e+00 : f32
    %max3A_275 = vector.broadcast %jit3A_273 : f32 to vector<1x64xf32>
    %max3A_276 = arith.maximumf %max3A_275, %mul3A_272 : vector<1x64xf32>
    %min3A_277 = vector.broadcast %jit3A_274 : f32 to vector<1x64xf32>
    %min3A_278 = arith.minimumf %min3A_277, %max3A_276 : vector<1x64xf32>
    %add3A_279 = arith.constant 1.000000e+00 : f32
    %add3A_280 = vector.broadcast %add3A_279 : f32 to vector<1x64xf32>
    %add3A_281 = arith.addf %convert_element_type3A_251, %add3A_280 : vector<1x64xf32>
    %sub3A_282 = arith.constant 3.000000e+00 : f32
    %sub3A_283 = vector.broadcast %sub3A_282 : f32 to vector<1x64xf32>
    %sub3A_284 = arith.subf %add3A_281, %sub3A_283 : vector<1x64xf32>
    %mul3A_285 = arith.constant 0.0163934417 : f32
    %mul3A_286 = vector.broadcast %mul3A_285 : f32 to vector<1x64xf32>
    %mul3A_287 = arith.mulf %sub3A_284, %mul3A_286 : vector<1x64xf32>
    %jit3A_288 = arith.constant 0.000000e+00 : f32
    %jit3A_289 = arith.constant 1.000000e+00 : f32
    %max3A_290 = vector.broadcast %jit3A_288 : f32 to vector<1x64xf32>
    %max3A_291 = arith.maximumf %max3A_290, %mul3A_287 : vector<1x64xf32>
    %min3A_292 = vector.broadcast %jit3A_289 : f32 to vector<1x64xf32>
    %min3A_293 = arith.minimumf %min3A_292, %max3A_291 : vector<1x64xf32>
    %add3A_294 = arith.constant 4.000000e+00 : f32
    %add3A_295 = vector.broadcast %add3A_294 : f32 to vector<1x64xf32>
    %add3A_296 = arith.addf %convert_element_type3A_251, %add3A_295 : vector<1x64xf32>
    %sub3A_297 = arith.constant 3.000000e+00 : f32
    %sub3A_298 = vector.broadcast %sub3A_297 : f32 to vector<1x64xf32>
    %sub3A_299 = arith.subf %add3A_296, %sub3A_298 : vector<1x64xf32>
    %mul3A_300 = arith.constant 0.0163934417 : f32
    %mul3A_301 = vector.broadcast %mul3A_300 : f32 to vector<1x64xf32>
    %mul3A_302 = arith.mulf %sub3A_299, %mul3A_301 : vector<1x64xf32>
    %jit3A_303 = arith.constant 0.000000e+00 : f32
    %jit3A_304 = arith.constant 1.000000e+00 : f32
    %max3A_305 = vector.broadcast %jit3A_303 : f32 to vector<1x64xf32>
    %max3A_306 = arith.maximumf %max3A_305, %mul3A_302 : vector<1x64xf32>
    %min3A_307 = vector.broadcast %jit3A_304 : f32 to vector<1x64xf32>
    %min3A_308 = arith.minimumf %min3A_307, %max3A_306 : vector<1x64xf32>
    %sub3A_309 = arith.subf %min3A_278, %min3A_263 : vector<1x64xf32>
    %sub3A_310 = arith.subf %min3A_308, %min3A_293 : vector<1x64xf32>
    %gt3A_311 = arith.constant 0.000000e+00 : f32
    %gt3A_312 = vector.broadcast %gt3A_311 : f32 to vector<1x64xf32>
    %gt3A_313 = arith.cmpf ogt, %sub3A_309, %gt3A_312 : vector<1x64xf32>
    %gt3A_314 = arith.constant 0.000000e+00 : f32
    %gt3A_315 = vector.broadcast %gt3A_314 : f32 to vector<1x64xf32>
    %gt3A_316 = arith.cmpf ogt, %sub3A_309, %gt3A_315 : vector<1x64xf32>
    %jit3A_317 = arith.constant 1.000000e+00 : f32
    %broadcast_in_dim3A_318 = vector.broadcast %jit3A_317 : f32 to vector<1x64xf32>
    %select_n3A_319 = arith.select %gt3A_316, %sub3A_309, %broadcast_in_dim3A_318 : vector<1x64xi1>, vector<1x64xf32>
    %div3A_320 = arith.constant 1.000000e+00 : f32
    %div3A_321 = vector.broadcast %div3A_320 : f32 to vector<1x64xf32>
    %div3A_322 = arith.divf %div3A_321, %select_n3A_319 : vector<1x64xf32>
    %jit3A_323 = arith.constant 0.000000e+00 : f32
    %broadcast_in_dim3A_324 = vector.broadcast %jit3A_323 : f32 to vector<1x64xf32>
    %select_n3A_325 = arith.select %gt3A_313, %div3A_322, %broadcast_in_dim3A_324 : vector<1x64xi1>, vector<1x64xf32>
    %gt3A_326 = arith.constant 0.000000e+00 : f32
    %gt3A_327 = vector.broadcast %gt3A_326 : f32 to vector<1x64xf32>
    %gt3A_328 = arith.cmpf ogt, %sub3A_310, %gt3A_327 : vector<1x64xf32>
    %gt3A_329 = arith.constant 0.000000e+00 : f32
    %gt3A_330 = vector.broadcast %gt3A_329 : f32 to vector<1x64xf32>
    %gt3A_331 = arith.cmpf ogt, %sub3A_310, %gt3A_330 : vector<1x64xf32>
    %jit3A_332 = arith.constant 1.000000e+00 : f32
    %broadcast_in_dim3A_333 = vector.broadcast %jit3A_332 : f32 to vector<1x64xf32>
    %select_n3A_334 = arith.select %gt3A_331, %sub3A_310, %broadcast_in_dim3A_333 : vector<1x64xi1>, vector<1x64xf32>
    %div3A_335 = arith.constant 1.000000e+00 : f32
    %div3A_336 = vector.broadcast %div3A_335 : f32 to vector<1x64xf32>
    %div3A_337 = arith.divf %div3A_336, %select_n3A_334 : vector<1x64xf32>
    %jit3A_338 = arith.constant 0.000000e+00 : f32
    %broadcast_in_dim3A_339 = vector.broadcast %jit3A_338 : f32 to vector<1x64xf32>
    %select_n3A_340 = arith.select %gt3A_328, %div3A_337, %broadcast_in_dim3A_339 : vector<1x64xi1>, vector<1x64xf32>
    %sub3A_341 = vector.broadcast %min3A_9 : vector<2048x1xf32> to vector<2048x64xf32>
    %sub3A_342 = vector.broadcast %min3A_263 : vector<1x64xf32> to vector<2048x64xf32>
    %sub3A_343 = arith.subf %sub3A_341, %sub3A_342 : vector<2048x64xf32>
    %mul3A_344 = vector.broadcast %select_n3A_325 : vector<1x64xf32> to vector<2048x64xf32>
    %mul3A_345 = arith.mulf %sub3A_343, %mul3A_344 : vector<2048x64xf32>
    %slice3A_346 = vector.extract_strided_slice %add3A_249 {offsets = [0, 0], sizes = [2048, 64], strides = [1, 1]} : vector<2048x65xf32> to vector<2048x64xf32>
    %mul3A_347 = arith.mulf %mul3A_345, %slice3A_346 : vector<2048x64xf32>
    %sub3A_348 = vector.broadcast %min3A_308 : vector<1x64xf32> to vector<2048x64xf32>
    %sub3A_349 = vector.broadcast %min3A_9 : vector<2048x1xf32> to vector<2048x64xf32>
    %sub3A_350 = arith.subf %sub3A_348, %sub3A_349 : vector<2048x64xf32>
    %mul3A_351 = vector.broadcast %select_n3A_340 : vector<1x64xf32> to vector<2048x64xf32>
    %mul3A_352 = arith.mulf %sub3A_350, %mul3A_351 : vector<2048x64xf32>
    %slice3A_353 = vector.extract_strided_slice %add3A_249 {offsets = [0, 1], sizes = [2048, 64], strides = [1, 1]} : vector<2048x65xf32> to vector<2048x64xf32>
    %mul3A_354 = arith.mulf %mul3A_352, %slice3A_353 : vector<2048x64xf32>
    %add3A_355 = arith.addf %mul3A_347, %mul3A_354 : vector<2048x64xf32>
    %get3A_356 = arith.constant 0 : index
    %get3A_357 = arith.constant 0 : index
    %get3A_358 = vector.load %arg5[%get3A_356, %get3A_357] : memref<64x64xf32, #tpu.memory_space<vmem>>, vector<64x64xf32>
    %dot_general3A = arith.constant dense<0.000000e+00> : vector<2048x64xf32>
    %dot_general3A_359 = tpu.matmul %add3A_355, %get3A_358, %dot_general3A {dimension_numbers = #tpu.dot_dimension_numbers<[1], [0], [0], [1], [0, 0, 1, 1], [], []>, transpose_lhs_hint = false} : vector<2048x64xf32>, vector<64x64xf32>, vector<2048x64xf32> -> vector<2048x64xf32>
    %get3A_360 = arith.constant 0 : index
    %get3A_361 = arith.constant 0 : index
    %get3A_362 = vector.load %arg6[%get3A_360, %get3A_361] : memref<64x1xf32, #tpu.memory_space<vmem>>, vector<64x1xf32>
    %dot_general3A_363 = arith.constant dense<0.000000e+00> : vector<2048x1xf32>
    %dot_general3A_364 = tpu.matmul %add3A_355, %get3A_362, %dot_general3A_363 {dimension_numbers = #tpu.dot_dimension_numbers<[1], [0], [0], [1], [0, 0, 1, 1], [], []>, transpose_lhs_hint = false} : vector<2048x64xf32>, vector<64x1xf32>, vector<2048x1xf32> -> vector<2048x1xf32>
    %get3A_365 = arith.constant 0 : index
    %get3A_366 = arith.constant 0 : index
    %get3A_367 = vector.load %arg2[%get3A_365, %get3A_366] : memref<2048x1xi32, #tpu.memory_space<vmem>>, vector<2048x1xi32>
    %ne3A = arith.constant 0 : i32
    %ne3A_368 = vector.broadcast %ne3A : i32 to vector<2048x1xi32>
    %ne3A_369 = arith.cmpi ne, %get3A_367, %ne3A_368 : vector<2048x1xi32>
    %get3A_370 = arith.constant 0 : index
    %get3A_371 = arith.constant 0 : index
    %get3A_372 = vector.load %arg3[%get3A_370, %get3A_371] : memref<2048x64xf32, #tpu.memory_space<vmem>>, vector<2048x64xf32>
    %broadcast_in_dim3A_373 = vector.shape_cast %ne3A_369 : vector<2048x1xi1> to vector<2048x1xi1>
    %broadcast_in_dim3A_374 = vector.broadcast %broadcast_in_dim3A_373 : vector<2048x1xi1> to vector<2048x64xi1>
    %select_n3A_375 = arith.select %broadcast_in_dim3A_374, %dot_general3A_359, %get3A_372 : vector<2048x64xi1>, vector<2048x64xf32>
    %swap3A = arith.constant 0 : index
    %swap3A_376 = arith.constant 0 : index
    %swap3A_377 = vector.load %arg7[%swap3A, %swap3A_376] : memref<2048x64xf32, #tpu.memory_space<vmem>>, vector<2048x64xf32>
    tpu.vector_store %arg7[%swap3A, %swap3A_376], %select_n3A_375 {strides = array<i32>} : memref<2048x64xf32, #tpu.memory_space<vmem>>, vector<2048x64xf32>,
    %get3A_378 = arith.constant 0 : index
    %get3A_379 = arith.constant 0 : index
    %get3A_380 = vector.load %arg4[%get3A_378, %get3A_379] : memref<2048x1xf32, #tpu.memory_space<vmem>>, vector<2048x1xf32>
    %select_n3A_381 = arith.select %ne3A_369, %dot_general3A_364, %get3A_380 : vector<2048x1xi1>, vector<2048x1xf32>
    %swap3A_382 = arith.constant 0 : index
    %swap3A_383 = arith.constant 0 : index
    %swap3A_384 = vector.load %arg8[%swap3A_382, %swap3A_383] : memref<2048x1xf32, #tpu.memory_space<vmem>>, vector<2048x1xf32>
    tpu.vector_store %arg8[%swap3A_382, %swap3A_383], %select_n3A_381 {strides = array<i32>} : memref<2048x1xf32, #tpu.memory_space<vmem>>, vector<2048x1xf32>,
    return
  }
  func.func @transform_0(%arg0: i32) -> (i32, i32) {
    %c0_i32 = arith.constant 0 : i32
    %c0_i32_0 = arith.constant 0 : i32
    return %arg0, %c0_i32 : i32, i32
  }
  func.func @transform_1(%arg0: i32) -> (i32, i32) {
    %c0_i32 = arith.constant 0 : i32
    %c0_i32_0 = arith.constant 0 : i32
    return %arg0, %c0_i32 : i32, i32
  }
  func.func @transform_2(%arg0: i32) -> (i32, i32) {
    %c0_i32 = arith.constant 0 : i32
    %c0_i32_0 = arith.constant 0 : i32
    return %arg0, %c0_i32 : i32, i32
  }
  func.func @transform_3(%arg0: i32) -> (i32, i32) {
    %c0_i32 = arith.constant 0 : i32
    %c0_i32_0 = arith.constant 0 : i32
    return %arg0, %c0_i32 : i32, i32
  }
  func.func @transform_4(%arg0: i32) -> (i32, i32) {
    %c0_i32 = arith.constant 0 : i32
    %c0_i32_0 = arith.constant 0 : i32
    %c0_i32_1 = arith.constant 0 : i32
    return %c0_i32, %c0_i32_0 : i32, i32
  }
  func.func @transform_5(%arg0: i32) -> (i32, i32) {
    %c0_i32 = arith.constant 0 : i32
    %c0_i32_0 = arith.constant 0 : i32
    %c0_i32_1 = arith.constant 0 : i32
    return %c0_i32, %c0_i32_0 : i32, i32
  }
  func.func @transform_6(%arg0: i32) -> (i32, i32) {
    %c0_i32 = arith.constant 0 : i32
    %c0_i32_0 = arith.constant 0 : i32
    return %arg0, %c0_i32 : i32, i32
  }
  func.func @transform_7(%arg0: i32) -> (i32, i32) {
    %c0_i32 = arith.constant 0 : i32
    %c0_i32_0 = arith.constant 0 : i32
    return %arg0, %c0_i32 : i32, i32
  }
}

</mosaic_0001>

<sc_bundles>
// kernel: kernel.4.cloned.1.call-start
scs
__scs_entry_jumppad:
0x0: {  	(pc) =	sbr.rel $0x88, $3  }
0x1: {  	(tag) =	ssettag $0x0;
	lr =	simm.s32 $0x1  }
0x2: {  	[smem:$0x3F9A] =	sst lr;
	_ =	strace $0xD0000000  }
0x3: {  	_ = 	snop  }
0x4: {  	_ = 	snop  }
0x5: {  	_ = 	snop  }
0x6: {  	_ = 	snop  }
0x7: {  	_ = 	snop  }
__scs_overlays_trampoline_lowered:
0x8: {  	[smem:$0x3FA9] =	sst s0  }
0x9: {  	[smem:$0x3FAA] =	sst s1  }
0xa: {  	[smem:$0x3FAB] =	sst s2  }
0xb: {  	[smem:$0x3FAC] =	sst s3  }
0xc: {  	[smem:$0x3FAD] =	sst s4  }
0xd: {  	[smem:$0x3FAE] =	sst s5  }
0xe: {  	[smem:$0x3FAF] =	sst s6  }
0xf: {  	[smem:$0x3FB0] =	sst s7  }
0x10: {  	[smem:$0x3FB1] =	sst s8  }
0x11: {  	[smem:$0x3FB2] =	sst s9;
	s0 =	simm.s32 @!p0 $0x0  }
0x12: {  	s1 =	sld [smem:$0x3F98];
	s0 =	simm.s32 @p0 $0x1  }
0x13: {  	[smem:$0x3FB3] =	sst s0;
	s0 =	simm.s32 @!p1 $0x0  }
0x14: {  	s2 =	sld [smem:$0x3F97];
	s0 =	simm.s32 @p1 $0x1  }
0x15: {  	[smem:$0x3FB4] =	sst s0;
	s0 =	simm.s32 @!p2 $0x0  }
0x16: {  	s3 =	sld [smem:$0x3FDB];
	s0 =	simm.s32 @p2 $0x1  }
0x17: {  	s4 =	simm.s32 $0x1BF5;
	[smem:$0x3FB6] =	sst s0  }
0x18: {  	s0 =	sld [smem:$0x3F99];
	_ =	swait.ge [sflag:s4], $0x0  }
0x19: {  	s7 =	sld [smem:$0x3F9A]  }
0x1a: {  	s8 =	sadd.s32 $0xFFFFE003, lr  }
0x1b: {  	s9 =	sadd.s32 $0xFFFFFEF7, lr;
	s5 =	simm.s32 $0xFFFFFFFF;
	p2 =	slt.u32 s8, $0xFFFFF086  }
0x1c: {  	p1 =	slt.u32 s9, $0xF7A;
	s5 =	simm.s32 @!p2 $0x0  }
0x1d: {  	s5 =	simm.s32 @p1 $0x1;
	p0 =	seq.s32 s7, s2  }
0x1e: {  	s7 =	smul.u32 @!p0 $0xF7A, s2;
	p2 =	seq.s32 @!p0 s5, $0x0  }
0x1f: {  	s9 =	smul.u32 $0xF7A, s1;
	s8 =	simm.s32 @!p0 $0x1BF5;
	p2 =	por !p2, p0  }
0x20: {  	[sflag:s8] =	ssyncset.s32 @!p0 $0xFFFFF086;
	s6 =	sadd.s32 @!p0 s3, s7;
	s7 =	simm.s32 @!p0 $0x108  }
0x21: {  	s3 =	sadd.s32 s3, s9;
	s6 =	sadd.s32 @!p0 $0x88, s6;
	s7 =	simm.s32 @p2 $0x1082  }
0x22: {  	[simem:s7], [sflag:s8] =	dma.local @!p0 [hbm:s6], $0xF7A  }
0x23: {  	s9 =	sor.u32 $0xD0000000, s2;
	s6 =	simm.s32 $0x108;
	_ =	swait.ge @!p0 [sflag:s8], $0x0  }
0x24: {  	s3 =	sadd.s32 $0x88, s3;
	s6 =	simm.s32 @!p1 $0x1082;
	[sflag:s4] =	ssyncset.s32 $0xFFFFF086  }
0x25: {  	[simem:s6], [sflag:s4] =	dma.local [hbm:s3], $0xF7A  }
0x26: {  	[smem:$0x3F9A] =	sst s1;
	(tag) =	ssettag s2;
	_ =	strace s9  }
0x27: {  	s1 =	sld [smem:$0x3FAA]  }
0x28: {  	s2 =	sld [smem:$0x3FAB]  }
0x29: {  	s4 =	sld [smem:$0x3FAD]  }
0x2a: {  	p0 =	seq.s32 s5, $0x0;
	s5 =	sld [smem:$0x3FAE]  }
0x2b: {  	s6 =	sld [smem:$0x3FAF]  }
0x2c: {  	s7 =	sld [smem:$0x3FB0]  }
0x2d: {  	s3 =	simm.s32 $0x108;
	s8 =	sld [smem:$0x3FB1]  }
0x2e: {  	s3 =	simm.s32 @!p0 $0x1082;
	s9 =	sld [smem:$0x3FB2]  }
0x2f: {  	lr =	sadd.s32 s0, s3;
	s0 =	sld [smem:$0x3FA9]  }
0x30: {  	s3 =	sld [smem:$0x3FAC]  }
0x31: {  	[smem:$0x3FB5] =	sst s10  }
0x32: {  	s10 =	sld [smem:$0x3FB3];
	_ =	sdelay $0x3  }
0x33: {  	p0 =	seq.s32 s10, $0x1;
	s10 =	sld [smem:$0x3FB5];
	_ =	sdelay $0x3  }
0x34: {  	[smem:$0x3FB5] =	sst s10  }
0x35: {  	s10 =	sld [smem:$0x3FB4];
	_ =	sdelay $0x3  }
0x36: {  	p1 =	seq.s32 s10, $0x1;
	s10 =	sld [smem:$0x3FB5];
	_ =	sdelay $0x3  }
0x37: {  	[smem:$0x3FB5] =	sst s10  }
0x38: {  	s10 =	sld [smem:$0x3FB6]  }
0x39: {  	_ = 	snop;
	(pc) =	sbr.ind lr, $3  }
0x3a: {  	_ = 	snop  }
0x3b: {  	_ = 	snop  }
0x3c: {  	p2 =	seq.s32 s10, $0x1;
	s10 =	sld [smem:$0x3FB5]  }
0x3d: {  	_ =	shalt  }
0x3e: {  	_ =	shalt  }
0x3f: {  	_ =	shalt  }
0x40: {  	_ =	shalt  }
0x41: {  	_ =	shalt  }
0x42: {  	_ =	shalt  }
0x43: {  	_ =	shalt  }
0x44: {  	_ =	shalt  }
0x45: {  	_ =	shalt  }
0x46: {  	_ =	shalt  }
0x47: {  	_ =	shalt  }
0x48: {  	_ =	shalt  }
0x49: {  	_ =	shalt  }
0x4a: {  	_ =	shalt  }
0x4b: {  	_ =	shalt  }
0x4c: {  	_ =	shalt  }
0x4d: {  	_ =	shalt  }
0x4e: {  	_ =	shalt  }
0x4f: {  	_ =	shalt  }
0x50: {  	_ =	shalt  }
0x51: {  	_ =	shalt  }
0x52: {  	_ =	shalt  }
0x53: {  	_ =	shalt  }
0x54: {  	_ =	shalt  }
0x55: {  	_ =	shalt  }
0x56: {  	_ =	shalt  }
0x57: {  	_ =	shalt  }
0x58: {  	_ =	shalt  }
0x59: {  	_ =	shalt  }
0x5a: {  	_ =	shalt  }
0x5b: {  	_ =	shalt  }
0x5c: {  	_ =	shalt  }
0x5d: {  	_ =	shalt  }
0x5e: {  	_ =	shalt  }
0x5f: {  	_ =	shalt  }
0x60: {  	_ =	shalt  }
0x61: {  	_ =	shalt  }
0x62: {  	_ =	shalt  }
0x63: {  	_ =	shalt  }
0x64: {  	_ =	shalt  }
0x65: {  	_ =	shalt  }
0x66: {  	_ =	shalt  }
0x67: {  	_ =	shalt  }
0x68: {  	_ =	shalt  }
0x69: {  	_ =	shalt  }
0x6a: {  	_ =	shalt  }
0x6b: {  	_ =	shalt  }
0x6c: {  	_ =	shalt  }
0x6d: {  	_ =	shalt  }
0x6e: {  	_ =	shalt  }
0x6f: {  	_ =	shalt  }
0x70: {  	_ =	shalt  }
0x71: {  	_ =	shalt  }
0x72: {  	_ =	shalt  }
0x73: {  	_ =	shalt  }
0x74: {  	_ =	shalt  }
0x75: {  	_ =	shalt  }
0x76: {  	_ =	shalt  }
0x77: {  	_ =	shalt  }
0x78: {  	_ =	shalt  }
0x79: {  	_ =	shalt  }
0x7a: {  	_ =	shalt  }
0x7b: {  	_ =	shalt  }
0x7c: {  	_ =	shalt  }
0x7d: {  	_ =	shalt  }
0x7e: {  	_ =	shalt  }
0x7f: {  	_ =	shalt  }
0x80: {  	_ =	shalt  }
0x81: {  	_ =	shalt  }
0x82: {  	_ =	shalt  }
0x83: {  	_ =	shalt  }
0x84: {  	_ =	shalt  }
0x85: {  	_ =	shalt  }
0x86: {  	_ =	shalt  }
0x87: {  	_ =	shalt  }
.Lfunc_end0:
.L_simem_size_0:
called_computation_lowered:
.L_overlay_start_0:
0x88: {  	s2 =	sld [smem:$0x3FD9]  }
0x89: {  	s3 =	sld [smem:$0x3FFE];
	_ =	sdelay $0x1  }
0x8a: {  	s1 =	srdreg.scid  }
0x8b: {  	s0 =	sand.u32 $0x1, s1  }
0x8c: {  	s14 =	sshll.u32 s0, $0xA;
	s2 =	sadd.s32 s3, s2  }
0x8d: {  	s2 =	sadd.s32 s2, s14  }
0x8e: {  	[smem:$0x3FC1] =	sst s2  }
0x8f: {  	_ = 	snop  }
0x90: {  	s2 =	sld [smem:$0x3FD0];
	_ =	sdelay $0x2  }
0x91: {  	s4 =	simm.s32 $0xA;
	s5 =	simm.s32 $0x10;
	s15 =	sld [smem:$0x3FC9]  }
0x92: {  	[smem:s5], [sflag:s4] =	dma.local [hbm:s2], $0x1  }
0x93: {  	_ =	swait.eq [sflag:s4], $0x1  }
0x94: {  	[sflag:s4] =	ssyncset.done $0x0  }
0x95: {  	s16 =	sld [smem:$0x10];
	[sflag:s4] =	ssyncadd.s32 $0xFFFFFFFF  }
0x96: {  	s17 =	sld [smem:$0x11];
	(tm) =	ssettm $0x1  }
0x97: {  	s18 =	sld [smem:$0x3FFB];
	_ =	sdelay $0x3  }
0x98: {  	_ =	strace s18  }
0x99: {  	s5 =	sld [smem:$0x3FFC];
	_ =	sdelay $0x3  }
0x9a: {  	_ =	strace s5  }
0x9b: {  	s5 =	sld [smem:$0x3FFD];
	_ =	sdelay $0x3  }
0x9c: {  	_ =	strace s5  }
0x9d: {  	_ =	strace $0x8FFFFFFF  }
0x9e: {  	s19 =	sld [smem:$0x3FDB];
	_ =	sdelay $0x1  }
0x9f: {  	s6 =	simm.s32 $_scs_section_size  }
0xa0: {  	s7 =	simm.s32 $_size__tile_overlayer_lowered;
	s8 =	simm.s32 $_tile_overlayer_lowered  }
0xa1: {  	s22 =	simm.s32 $0x1BFF;
	s21 =	sshll.u32 s8, $0x1;
	s5 =	sadd.s32 s6, s19  }
0xa2: {  	s9 =	simm.s32 $0x0;
	s20 =	sshll.u32 s7, $0x1;
	s7 =	sadd.s32 s21, s5  }
0xa3: {  	[timem:s9], [sflag:s22] =	dma.local [hbm:s7], s20  }
0xa4: {  	_ =	swait.ge [sflag:s22], s20  }
0xa5: {  	s6 =	ssub.s32 $0x0, s20;
	[sflag:s22] =	ssyncset.done $0x0  }
0xa6: {  	[sflag:s22] =	ssyncadd.s32 s6;
	_ =	sdelay $0x1  }
0xa7: {  	s23 =	simm.s32 $0x1B8B  }
0xa8: {  	_ =	swait.ge [sflag:s23], $0x1  }
0xa9: {  	[sflag:s23] =	ssyncset.done $0x0  }
0xaa: {  	s25 =	simm.s32 $0x1B8E;
	s24 =	sld [smem:$0x3FFE];
	[sflag:s23] =	ssyncadd.s32 $0xFFFFFFFF  }
0xab: {  	s26 =	simm.s32 $execute0_lowered;
	[smem:$0x3FD2] =	sst s25  }
0xac: {  	s7 =	sshll.u32 s26, $0x1;
	_ =	strace $0x80000046;
	[dreg:$0x1] =	wrdreg $0xFFFFFFFF  }
0xad: {  	s28 =	simm.s32 $_size_execute0_lowered;
	s5 =	sadd.s32 s5, s7;
	[dreg:$0x0] =	wrdreg $0x0  }
0xae: {  	s7 =	sshll.u32 s28, $0x1;
	[dreg:$0x2] =	wrdreg s5  }
0xaf: {  	[dreg:$0x3] =	wrdreg s7  }
0xb0: {  	[dreg:$0x4] =	wrdreg $0xC0  }
0xb1: {  	_ =	task [dreg:s9], $0x5FFFF  }
0xb2: {  	[dreg:$0x1] =	wrdreg $0xFFFFFFFF  }
0xb3: {  	[dreg:$0x0] =	wrdreg $0x60  }
0xb4: {  	[dreg:$0x2] =	wrdreg s15  }
0xb5: {  	[dreg:$0x3] =	wrdreg s24  }
0xb6: {  	[dreg:$0x4] =	wrdreg s16  }
0xb7: {  	[dreg:$0x5] =	wrdreg s17  }
0xb8: {  	[dreg:$0x6] =	wrdreg $0x9  }
0xb9: {  	_ =	task.clear_ibuf [dreg:s9], $0x7FFFF;
	_ =	strace $0x90000046  }
0xba: {  	s29 =	simm.s32 $0x9;
	_ =	strace $0x80000048  }
0xbb: {  	_ =	swait.ge [sflag:s29], $0x1  }
0xbc: {  	[sflag:s29] =	ssyncadd.s32 $0xFFFFFFFF  }
0xbd: {  	_ =	strace $0x90000048  }
0xbe: {  	_ =	sfence  }
0xbf: {  	s30 =	sld [smem:$0x0];
	_ =	sdelay $0x2  }
0xc0: {  	s31 =	sshll.u32 s1, $0xD;
	s1 =	sshrl.u32 s1, $0x2  }
0xc1: {  	s3 =	sand.u32 $0x4000, s31;
	s1 =	sadd.s32 s1, s30  }
0xc2: {  	s0 =	sor.u32 s3, s0;
	s1 =	sshll.u32 s1, $0x11  }
0xc3: {  	s0 =	sor.u32 s1, s0  }
0xc4: {  	s0 =	sadd.s32 $0x8F2B, s0  }
0xc5: {  	[sflag:s0] =	ssyncadd.remote.s32 $0x1  }
0xc6: {  	_ =	sfence.sel $0xFFFF  }
0xc7: {  	[dreg:$0x0] =	wrdreg $0xFFFFFFFF;
	(pc) =	sbr.abs _section_cstart, $3  }
0xc8: {  	[dreg:$0x1] =	wrdreg $0xFFFFFFFF  }
0xc9: {  	_ =	task.clear_ibuf [dreg:s9], $0x2FFFF;
	_ =	strace $0x9FFFFFFF  }
0xca: {  	(tm) =	ssettm $0x7FFFFFFF  }
0xcb: {  	_ =	shalt  }
tec
execute0_lowered:
.L_overlay_start_1:
0x0: {  	(tag) =	ssettag $0x1  }
0x1: {  	s5 =	rddreg [dreg:$0x0]  }
0x2: {  	s4 =	rddreg [dreg:$0x1]  }
0x3: {  	s9 =	rddreg [dreg:$0x2]  }
0x4: {  	s10 =	rddreg [dreg:$0x3]  }
0x5: {  	s0 =	rddreg [dreg:$0x4]  }
0x6: {  	s3 =	srdreg.scid;
	s2 =	simm.s32 $0x0;
	s1 =	stileid.u32;
	v0 =	vlaneseq.u32  }
0x7: {  	s14 =	simm.s32 $0x100;
	s15 =	simm.s32 $0x180;
	s16 =	simm.s32 $0x400;
	v0 =	vmul.u32 $0x10, v0  }
0x8: {  	s17 =	simm.s32 $0x200;
	s18 =	simm.s32 $0x8400;
	s19 =	simm.s32 $0x2400  }
0x9: {  	s20 =	simm.s32 $0x280;
	s21 =	simm.s32 $0x8C00;
	s22 =	simm.s32 $0x4400;
	v1 =	vor.u32 $0x100, v0  }
0xa: {  	s23 =	simm.s32 $0x300;
	s24 =	simm.s32 $0x9400;
	s25 =	simm.s32 $0x6400;
	v2 =	vor.u32 $0x200, v0;
	v3 =	vor.u32 $0x300, v0;
	v4 =	vor.u32 $0x400, v0  }
0xb: {  	s28 =	simm.s32 $0x9C00;
	s29 =	simm.s32 $0x1;
	s30 =	simm.s32 $0x2;
	v5 =	vor.u32 $0x500, v0;
	v6 =	vor.u32 $0x600, v0;
	v7 =	vor.u32 $0x700, v0  }
0xc: {  	s31 =	simm.s32 $0xA400;
	s6 =	sand.u32 $0x1, s3;
	[smem:$0x7FF] =	sst s2;
	v8 =	vor.u32 $0x800, v0;
	v9 =	vor.u32 $0x900, v0;
	v10 =	vor.u32 $0xA00, v0  }
0xd: {  	s26 =	sshll.u32 s1, $0xA;
	s3 =	sadd.s32 $0xF43000, s4;
	s4 =	sadd.s32 $0xC00, s4;
	v11 =	vor.u32 $0xB00, v0;
	v12 =	vor.u32 $0xC00, v0;
	v13 =	vor.u32 $0xD00, v0  }
0xe: {  	s7 =	sshll.u32 s6, $0x9;
	_ =	strace $0x80000047;
	s6 =	ssub.s32 $0x2, s6;
	v14 =	vor.u32 $0xE00, v0;
	v15 =	vor.u32 $0xF00, v0;
	v16 =	vor.u32 $0x1000, v0  }
0xf: {  	s7 =	sor.u32 s7, s26;
	s8 =	sshrl.u32 s6, $0x1;
	v17 =	vor.u32 $0x1100, v0;
	v18 =	vor.u32 $0x1200, v0;
	v19 =	vor.u32 $0x1300, v0;
	s26 =	simm.s32 $0x380  }
0x10: {  	v20 =	vor.u32 $0x1400, v0;
	v21 =	vor.u32 $0x1500, v0;
	v22 =	vor.u32 $0x1600, v0;
	s11 =	sshrl.u32 s7, $0x3;
	s12 =	ssub.s32 s6, s8;
	s13 =	sshll.u32 s7, $0x3  }
0x11: {  	v23 =	vor.u32 $0x1700, v0;
	v24 =	vor.u32 $0x1800, v0;
	v25 =	vor.u32 $0x1900, v0;
	s5 =	sadd.s32 s5, s11;
	s9 =	sadd.s32 s9, s13;
	s10 =	sadd.s32 s10, s11  }
0x12: {  	v26 =	vor.u32 $0x1A00, v0;
	v27 =	vor.u32 $0x1B00, v0;
	v28 =	vor.u32 $0x1C00, v0;
	s11 =	smax.u32 s12, $0x1;
	s12 =	simm.s32 $0x3;
	s13 =	simm.s32 $0x80  }
0x13: {  	v29 =	vor.u32 $0x1D00, v0;
	v30 =	vor.u32 $0x1E00, v0;
	v31 =	vor.u32 $0x1F00, v0;
	s6 =	sadd.s32 $0x10, s5;
	s7 =	sadd.s32 $0x20, s5;
	s8 =	sadd.s32 $0x30, s5  }
.LBB2_1:
0x14: {  	[tilespmem:s2], [sflag:$0x3] =	stream.linear.gather [hbm4b:s5+s2], $0x80, $0x38;
	[tilespmem:$0xA600] =	vst v63  }
0x15: {  	_ =	swait.ge [sflag:s12], $0x80  }
0x16: {  	[sflag:s12] =	ssyncset.done $0x0  }
0x17: {  	[sflag:s12] =	ssyncadd.s32 $0xFFFFFF80  }
0x18: {  	[tilespmem:s13], [sflag:$0x3] =	stream.linear.gather [hbm4b:s6+s2], $0x80, $0x38;
	[tilespmem:$0xA600] =	vst v63  }
0x19: {  	_ =	swait.ge [sflag:s12], $0x80  }
0x1a: {  	[sflag:s12] =	ssyncset.done $0x0  }
0x1b: {  	[sflag:s12] =	ssyncadd.s32 $0xFFFFFF80  }
0x1c: {  	[tilespmem:s14], [sflag:$0x3] =	stream.linear.gather [hbm4b:s7+s2], $0x80, $0x38;
	[tilespmem:$0xA600] =	vst v63  }
0x1d: {  	_ =	swait.ge [sflag:s12], $0x80  }
0x1e: {  	[sflag:s12] =	ssyncset.done $0x0  }
0x1f: {  	[sflag:s12] =	ssyncadd.s32 $0xFFFFFF80  }
0x20: {  	[tilespmem:s15], [sflag:$0x3] =	stream.linear.gather [hbm4b:s8+s2], $0x80, $0x38;
	[tilespmem:$0xA600] =	vst v63  }
0x21: {  	_ =	swait.ge [sflag:s12], $0x80  }
0x22: {  	[sflag:s12] =	ssyncset.done $0x0  }
0x23: {  	[sflag:s12] =	ssyncadd.s32 $0xFFFFFF80  }
0x24: {  	v32 =	vld [tilespmem:$0x0]  }
0x25: {  	v33 =	vld [tilespmem:$0x10]  }
0x26: {  	v34 =	vld [tilespmem:$0x20]  }
0x27: {  	v35 =	vld [tilespmem:$0x30]  }
0x28: {  	v36 =	vld [tilespmem:$0x40]  }
0x29: {  	v37 =	vld [tilespmem:$0x50]  }
0x2a: {  	v51 =	vld [tilespmem:$0x60];
	v32 =	vshrl.u32 v32, $0x4  }
0x2b: {  	v53 =	vld [tilespmem:$0x70];
	v50 =	vshrl.u32 v33, $0x4;
	[tilespmem:$0x200] =	vst v32  }
0x2c: {  	v55 =	vld [tilespmem:$0x80];
	v52 =	vshrl.u32 v34, $0x4;
	[tilespmem:$0x210] =	vst v50  }
0x2d: {  	v57 =	vld [tilespmem:$0x90];
	v54 =	vshrl.u32 v35, $0x4;
	[tilespmem:$0x220] =	vst v52  }
0x2e: {  	v59 =	vld [tilespmem:$0xA0];
	v56 =	vshrl.u32 v36, $0x4;
	[tilespmem:$0x230] =	vst v54  }
0x2f: {  	v61 =	vld [tilespmem:$0xB0];
	v58 =	vshrl.u32 v37, $0x4;
	[tilespmem:$0x240] =	vst v56  }
0x30: {  	v63 =	vld [tilespmem:$0xC0];
	v60 =	vshrl.u32 v51, $0x4;
	[tilespmem:$0x250] =	vst v58  }
0x31: {  	v40 =	vld [tilespmem:$0xD0];
	v62 =	vshrl.u32 v53, $0x4;
	[tilespmem:$0x260] =	vst v60  }
0x32: {  	v42 =	vld [tilespmem:$0xE0];
	v39 =	vshrl.u32 v55, $0x4;
	[tilespmem:$0x270] =	vst v62  }
0x33: {  	v44 =	vld [tilespmem:$0xF0];
	v41 =	vshrl.u32 v57, $0x4;
	[tilespmem:$0x280] =	vst v39  }
0x34: {  	v46 =	vld [tilespmem:$0x100];
	v43 =	vshrl.u32 v59, $0x4;
	[tilespmem:$0x290] =	vst v41  }
0x35: {  	v48 =	vld [tilespmem:$0x110];
	v45 =	vshrl.u32 v61, $0x4;
	[tilespmem:$0x2A0] =	vst v43  }
0x36: {  	v47 =	vshrl.u32 v63, $0x4;
	[tilespmem:$0x2B0] =	vst v45  }
0x37: {  	v49 =	vshrl.u32 v40, $0x4;
	v40 =	vld [tilespmem:$0x190];
	[tilespmem:$0x2C0] =	vst v47  }
0x38: {  	v51 =	vshrl.u32 v42, $0x4;
	v42 =	vld [tilespmem:$0x1A0];
	[tilespmem:$0x2D0] =	vst v49  }
0x39: {  	v53 =	vshrl.u32 v44, $0x4;
	v44 =	vld [tilespmem:$0x1B0];
	[tilespmem:$0x2E0] =	vst v51  }
0x3a: {  	v55 =	vshrl.u32 v46, $0x4;
	v57 =	vshrl.u32 v48, $0x4;
	v48 =	vld [tilespmem:$0x1D0];
	[tilespmem:$0x2F0] =	vst v53  }
0x3b: {  	v50 =	vld [tilespmem:$0x120];
	[tilespmem:$0x300] =	vst v55  }
0x3c: {  	v52 =	vld [tilespmem:$0x130];
	[tilespmem:$0x310] =	vst v57;
	v49 =	vshrl.u32 v40, $0x4  }
0x3d: {  	v54 =	vld [tilespmem:$0x140];
	v51 =	vshrl.u32 v42, $0x4;
	[tilespmem:$0x390] =	vst v49  }
0x3e: {  	v56 =	vld [tilespmem:$0x150];
	v53 =	vshrl.u32 v44, $0x4;
	[tilespmem:$0x3A0] =	vst v51  }
0x3f: {  	v58 =	vld [tilespmem:$0x160];
	v55 =	vshrl.u32 v48, $0x4;
	[tilespmem:$0x3B0] =	vst v53  }
0x40: {  	v60 =	vld [tilespmem:$0x170];
	v59 =	vshrl.u32 v50, $0x4;
	[tilespmem:$0x3D0] =	vst v55  }
0x41: {  	v62 =	vld [tilespmem:$0x180];
	v61 =	vshrl.u32 v52, $0x4;
	[tilespmem:$0x320] =	vst v59  }
0x42: {  	v46 =	vld [tilespmem:$0x1C0];
	v63 =	vshrl.u32 v54, $0x4;
	[tilespmem:$0x330] =	vst v61  }
0x43: {  	v41 =	vshrl.u32 v56, $0x4;
	v50 =	vld [tilespmem:$0x1E0];
	[tilespmem:$0x340] =	vst v63  }
0x44: {  	v43 =	vshrl.u32 v58, $0x4;
	v52 =	vld [tilespmem:$0x1F0];
	[tilespmem:$0x350] =	vst v41  }
0x45: {  	v45 =	vshrl.u32 v60, $0x4;
	[tilespmem:$0x360] =	vst v43  }
0x46: {  	v47 =	vshrl.u32 v62, $0x4;
	[tilespmem:$0x370] =	vst v45  }
0x47: {  	v54 =	vshrl.u32 v46, $0x4;
	[tilespmem:$0x380] =	vst v47  }
0x48: {  	[tilespmem:$0x3C0] =	vst v54;
	v56 =	vshrl.u32 v50, $0x4  }
0x49: {  	v57 =	vshrl.u32 v52, $0x4;
	[tilespmem:$0x3E0] =	vst v56  }
0x4a: {  	[tilespmem:$0x3F0] =	vst v57  }
0x4b: {  	[tilespmem:s16], [sflag:$0x1] =	stream.indirect.gather [hbm4b:s3+s13], $0x40, s2, s13, $0xb8;
	[tilespmem:$0xA600] =	vst v63  }
0x4c: {  	_ = 	snop  }
0x4d: {  	[tilespmem:s18], [sflag:$0x2] =	stream.indirect.gather [hbm4b:s4+s13], $0x10, s17, s13, $0xb8;
	[tilespmem:$0xA600] =	vst v63  }
0x4e: {  	_ = 	snop  }
0x4f: {  	[tilespmem:s19], [sflag:$0x1] =	stream.indirect.gather [hbm4b:s3+s13], $0x40, s13, s13, $0xb8;
	[tilespmem:$0xA600] =	vst v63  }
0x50: {  	_ = 	snop  }
0x51: {  	[tilespmem:s21], [sflag:$0x2] =	stream.indirect.gather [hbm4b:s4+s13], $0x10, s20, s13, $0xb8;
	[tilespmem:$0xA600] =	vst v63  }
0x52: {  	_ = 	snop  }
0x53: {  	[tilespmem:s22], [sflag:$0x1] =	stream.indirect.gather [hbm4b:s3+s13], $0x40, s14, s13, $0xb8;
	[tilespmem:$0xA600] =	vst v63  }
0x54: {  	_ = 	snop  }
0x55: {  	[tilespmem:s24], [sflag:$0x2] =	stream.indirect.gather [hbm4b:s4+s13], $0x10, s23, s13, $0xb8;
	[tilespmem:$0xA600] =	vst v63  }
0x56: {  	_ = 	snop  }
0x57: {  	[tilespmem:s25], [sflag:$0x1] =	stream.indirect.gather [hbm4b:s3+s13], $0x40, s15, s13, $0xb8;
	[tilespmem:$0xA600] =	vst v63  }
0x58: {  	_ = 	snop  }
0x59: {  	[tilespmem:s28], [sflag:$0x2] =	stream.indirect.gather [hbm4b:s4+s13], $0x10, s26, s13, $0xb8;
	[tilespmem:$0xA600] =	vst v63  }
0x5a: {  	_ =	swait.ge [sflag:s29], $0x2000  }
0x5b: {  	[sflag:s29] =	ssyncset.done $0x0  }
0x5c: {  	[sflag:s29] =	ssyncadd.s32 $0xFFFFE000  }
0x5d: {  	_ =	swait.ge [sflag:s30], $0x800  }
0x5e: {  	[sflag:s30] =	ssyncset.done $0x0  }
0x5f: {  	[sflag:s30] =	ssyncadd.s32 $0xFFFFF800  }
0x60: {  	_ =	swait.ge [sflag:s29], $0x2000  }
0x61: {  	[sflag:s29] =	ssyncset.done $0x0  }
0x62: {  	[sflag:s29] =	ssyncadd.s32 $0xFFFFE000  }
0x63: {  	_ =	swait.ge [sflag:s30], $0x800  }
0x64: {  	[sflag:s30] =	ssyncset.done $0x0  }
0x65: {  	[sflag:s30] =	ssyncadd.s32 $0xFFFFF800  }
0x66: {  	_ =	swait.ge [sflag:s29], $0x2000  }
0x67: {  	[sflag:s29] =	ssyncset.done $0x0  }
0x68: {  	[sflag:s29] =	ssyncadd.s32 $0xFFFFE000  }
0x69: {  	_ =	swait.ge [sflag:s30], $0x800  }
0x6a: {  	[sflag:s30] =	ssyncset.done $0x0  }
0x6b: {  	[sflag:s30] =	ssyncadd.s32 $0xFFFFF800  }
0x6c: {  	_ =	swait.ge [sflag:s29], $0x2000  }
0x6d: {  	[sflag:s29] =	ssyncset.done $0x0  }
0x6e: {  	[sflag:s29] =	ssyncadd.s32 $0xFFFFE000  }
0x6f: {  	_ =	swait.ge [sflag:s30], $0x800  }
0x70: {  	[sflag:s30] =	ssyncset.done $0x0  }
0x71: {  	[sflag:s30] =	ssyncadd.s32 $0xFFFFF800  }
0x72: {  	v58 =	vld [tilespmem:$0x0];
	_ =	sdelay $0x4  }
0x73: {  	v32 =	vand.u32 $0xF, v58  }
0x74: {  	v59 =	vld [tilespmem:$0x10];
	v32 =	vor.u32 v0, v32;
	_ =	sdelay $0x4  }
0x75: {  	v33 =	vand.u32 $0xF, v59;
	v32 =	vld.idx.msk [tilespmem:v32+s18+$0x0], $0xffff  }
0x76: {  	v60 =	vld [tilespmem:$0x20];
	v33 =	vor.u32 v1, v33;
	_ =	sdelay $0x3  }
0x77: {  	[tilespmem:$0xA400] =	vst v32  }
0x78: {  	v61 =	vand.u32 $0xF, v60;
	v32 =	vld.idx.msk [tilespmem:v33+s18+$0x0], $0xffff  }
0x79: {  	v62 =	vld [tilespmem:$0x30];
	v33 =	vor.u32 v2, v61;
	_ =	sdelay $0x3  }
0x7a: {  	[tilespmem:$0xA410] =	vst v32  }
0x7b: {  	v63 =	vand.u32 $0xF, v62;
	v32 =	vld.idx.msk [tilespmem:v33+s18+$0x0], $0xffff  }
0x7c: {  	v36 =	vld [tilespmem:$0x40];
	v33 =	vor.u32 v3, v63;
	_ =	sdelay $0x3  }
0x7d: {  	[tilespmem:$0xA420] =	vst v32  }
0x7e: {  	v37 =	vand.u32 $0xF, v36;
	v32 =	vld.idx.msk [tilespmem:v33+s18+$0x0], $0xffff  }
0x7f: {  	v38 =	vld [tilespmem:$0x50];
	v33 =	vor.u32 v4, v37;
	_ =	sdelay $0x3  }
0x80: {  	[tilespmem:$0xA430] =	vst v32  }
0x81: {  	v39 =	vand.u32 $0xF, v38;
	v32 =	vld.idx.msk [tilespmem:v33+s18+$0x0], $0xffff  }
0x82: {  	v40 =	vld [tilespmem:$0x60];
	v33 =	vor.u32 v5, v39;
	_ =	sdelay $0x3  }
0x83: {  	[tilespmem:$0xA440] =	vst v32  }
0x84: {  	v41 =	vand.u32 $0xF, v40;
	v32 =	vld.idx.msk [tilespmem:v33+s18+$0x0], $0xffff  }
0x85: {  	v42 =	vld [tilespmem:$0x70];
	v33 =	vor.u32 v6, v41;
	_ =	sdelay $0x3  }
0x86: {  	[tilespmem:$0xA450] =	vst v32  }
0x87: {  	v43 =	vand.u32 $0xF, v42;
	v32 =	vld.idx.msk [tilespmem:v33+s18+$0x0], $0xffff  }
0x88: {  	v44 =	vld [tilespmem:$0x80];
	v33 =	vor.u32 v7, v43;
	_ =	sdelay $0x3  }
0x89: {  	[tilespmem:$0xA460] =	vst v32  }
0x8a: {  	v45 =	vand.u32 $0xF, v44;
	v32 =	vld.idx.msk [tilespmem:v33+s18+$0x0], $0xffff  }
0x8b: {  	v46 =	vld [tilespmem:$0x90];
	v33 =	vor.u32 v8, v45;
	_ =	sdelay $0x3  }
0x8c: {  	[tilespmem:$0xA470] =	vst v32  }
0x8d: {  	v47 =	vand.u32 $0xF, v46;
	v32 =	vld.idx.msk [tilespmem:v33+s18+$0x0], $0xffff  }
0x8e: {  	v48 =	vld [tilespmem:$0xA0];
	v33 =	vor.u32 v9, v47;
	_ =	sdelay $0x3  }
0x8f: {  	[tilespmem:$0xA480] =	vst v32  }
0x90: {  	v49 =	vand.u32 $0xF, v48;
	v32 =	vld.idx.msk [tilespmem:v33+s18+$0x0], $0xffff  }
0x91: {  	v50 =	vld [tilespmem:$0xB0];
	v33 =	vor.u32 v10, v49;
	_ =	sdelay $0x3  }
0x92: {  	[tilespmem:$0xA490] =	vst v32  }
0x93: {  	v51 =	vand.u32 $0xF, v50;
	v32 =	vld.idx.msk [tilespmem:v33+s18+$0x0], $0xffff  }
0x94: {  	v52 =	vld [tilespmem:$0xC0];
	v33 =	vor.u32 v11, v51;
	_ =	sdelay $0x3  }
0x95: {  	[tilespmem:$0xA4A0] =	vst v32  }
0x96: {  	v53 =	vand.u32 $0xF, v52;
	v32 =	vld.idx.msk [tilespmem:v33+s18+$0x0], $0xffff  }
0x97: {  	v54 =	vld [tilespmem:$0xD0];
	v33 =	vor.u32 v12, v53;
	_ =	sdelay $0x3  }
0x98: {  	[tilespmem:$0xA4B0] =	vst v32  }
0x99: {  	v55 =	vand.u32 $0xF, v54;
	v32 =	vld.idx.msk [tilespmem:v33+s18+$0x0], $0xffff  }
0x9a: {  	v56 =	vld [tilespmem:$0xE0];
	v33 =	vor.u32 v13, v55;
	_ =	sdelay $0x3  }
0x9b: {  	[tilespmem:$0xA4C0] =	vst v32  }
0x9c: {  	v57 =	vand.u32 $0xF, v56;
	v32 =	vld.idx.msk [tilespmem:v33+s18+$0x0], $0xffff  }
0x9d: {  	v58 =	vld [tilespmem:$0xF0];
	v33 =	vor.u32 v14, v57;
	_ =	sdelay $0x3  }
0x9e: {  	[tilespmem:$0xA4D0] =	vst v32  }
0x9f: {  	v59 =	vand.u32 $0xF, v58;
	v32 =	vld.idx.msk [tilespmem:v33+s18+$0x0], $0xffff  }
0xa0: {  	v60 =	vld [tilespmem:$0x100];
	v33 =	vor.u32 v15, v59;
	_ =	sdelay $0x3  }
0xa1: {  	[tilespmem:$0xA4E0] =	vst v32  }
0xa2: {  	v61 =	vand.u32 $0xF, v60;
	v32 =	vld.idx.msk [tilespmem:v33+s18+$0x0], $0xffff  }
0xa3: {  	v62 =	vld [tilespmem:$0x110];
	v33 =	vor.u32 v16, v61;
	_ =	sdelay $0x3  }
0xa4: {  	[tilespmem:$0xA4F0] =	vst v32  }
0xa5: {  	v63 =	vand.u32 $0xF, v62;
	v32 =	vld.idx.msk [tilespmem:v33+s18+$0x0], $0xffff  }
0xa6: {  	v36 =	vld [tilespmem:$0x120];
	v33 =	vor.u32 v17, v63;
	_ =	sdelay $0x3  }
0xa7: {  	[tilespmem:$0xA500] =	vst v32  }
0xa8: {  	v37 =	vand.u32 $0xF, v36;
	v32 =	vld.idx.msk [tilespmem:v33+s18+$0x0], $0xffff  }
0xa9: {  	v38 =	vld [tilespmem:$0x130];
	v33 =	vor.u32 v18, v37;
	_ =	sdelay $0x3  }
0xaa: {  	[tilespmem:$0xA510] =	vst v32  }
0xab: {  	v39 =	vand.u32 $0xF, v38;
	v32 =	vld.idx.msk [tilespmem:v33+s18+$0x0], $0xffff  }
0xac: {  	v40 =	vld [tilespmem:$0x140];
	v33 =	vor.u32 v19, v39;
	_ =	sdelay $0x3  }
0xad: {  	[tilespmem:$0xA520] =	vst v32  }
0xae: {  	v41 =	vand.u32 $0xF, v40;
	v32 =	vld.idx.msk [tilespmem:v33+s18+$0x0], $0xffff  }
0xaf: {  	v42 =	vld [tilespmem:$0x150];
	v33 =	vor.u32 v20, v41;
	_ =	sdelay $0x3  }
0xb0: {  	[tilespmem:$0xA530] =	vst v32  }
0xb1: {  	v43 =	vand.u32 $0xF, v42;
	v32 =	vld.idx.msk [tilespmem:v33+s18+$0x0], $0xffff  }
0xb2: {  	v44 =	vld [tilespmem:$0x160];
	v33 =	vor.u32 v21, v43;
	_ =	sdelay $0x3  }
0xb3: {  	[tilespmem:$0xA540] =	vst v32  }
0xb4: {  	v45 =	vand.u32 $0xF, v44;
	v32 =	vld.idx.msk [tilespmem:v33+s18+$0x0], $0xffff  }
0xb5: {  	v46 =	vld [tilespmem:$0x170];
	v33 =	vor.u32 v22, v45;
	_ =	sdelay $0x3  }
0xb6: {  	[tilespmem:$0xA550] =	vst v32  }
0xb7: {  	v47 =	vand.u32 $0xF, v46;
	v32 =	vld.idx.msk [tilespmem:v33+s18+$0x0], $0xffff  }
0xb8: {  	v48 =	vld [tilespmem:$0x180];
	v33 =	vor.u32 v23, v47;
	_ =	sdelay $0x3  }
0xb9: {  	[tilespmem:$0xA560] =	vst v32  }
0xba: {  	v49 =	vand.u32 $0xF, v48;
	v32 =	vld.idx.msk [tilespmem:v33+s18+$0x0], $0xffff  }
0xbb: {  	v50 =	vld [tilespmem:$0x190];
	v33 =	vor.u32 v24, v49;
	_ =	sdelay $0x3  }
0xbc: {  	[tilespmem:$0xA570] =	vst v32  }
0xbd: {  	v51 =	vand.u32 $0xF, v50;
	v32 =	vld.idx.msk [tilespmem:v33+s18+$0x0], $0xffff  }
0xbe: {  	v52 =	vld [tilespmem:$0x1A0];
	v33 =	vor.u32 v25, v51;
	_ =	sdelay $0x3  }
0xbf: {  	[tilespmem:$0xA580] =	vst v32  }
0xc0: {  	v53 =	vand.u32 $0xF, v52;
	v32 =	vld.idx.msk [tilespmem:v33+s18+$0x0], $0xffff  }
0xc1: {  	v54 =	vld [tilespmem:$0x1B0];
	v33 =	vor.u32 v26, v53;
	_ =	sdelay $0x3  }
0xc2: {  	[tilespmem:$0xA590] =	vst v32  }
0xc3: {  	v55 =	vand.u32 $0xF, v54;
	v32 =	vld.idx.msk [tilespmem:v33+s18+$0x0], $0xffff  }
0xc4: {  	v56 =	vld [tilespmem:$0x1C0];
	v33 =	vor.u32 v27, v55;
	_ =	sdelay $0x3  }
0xc5: {  	[tilespmem:$0xA5A0] =	vst v32  }
0xc6: {  	v57 =	vand.u32 $0xF, v56;
	v32 =	vld.idx.msk [tilespmem:v33+s18+$0x0], $0xffff  }
0xc7: {  	v58 =	vld [tilespmem:$0x1D0];
	v33 =	vor.u32 v28, v57;
	_ =	sdelay $0x3  }
0xc8: {  	[tilespmem:$0xA5B0] =	vst v32  }
0xc9: {  	v59 =	vand.u32 $0xF, v58;
	v32 =	vld.idx.msk [tilespmem:v33+s18+$0x0], $0xffff  }
0xca: {  	v60 =	vld [tilespmem:$0x1E0];
	v33 =	vor.u32 v29, v59;
	_ =	sdelay $0x3  }
0xcb: {  	[tilespmem:$0xA5C0] =	vst v32  }
0xcc: {  	v61 =	vand.u32 $0xF, v60;
	v32 =	vld.idx.msk [tilespmem:v33+s18+$0x0], $0xffff  }
0xcd: {  	v62 =	vld [tilespmem:$0x1F0];
	v33 =	vor.u32 v30, v61;
	_ =	sdelay $0x3  }
0xce: {  	[tilespmem:$0xA5D0] =	vst v32  }
0xcf: {  	v63 =	vand.u32 $0xF, v62;
	v32 =	vld.idx.msk [tilespmem:v33+s18+$0x0], $0xffff  }
0xd0: {  	v33 =	vor.u32 v31, v63;
	_ =	sdelay $0x3  }
0xd1: {  	[tilespmem:$0xA5E0] =	vst v32  }
0xd2: {  	v32 =	vld.idx.msk [tilespmem:v33+s18+$0x0], $0xffff;
	_ =	sdelay $0x4  }
0xd3: {  	[tilespmem:$0xA5F0] =	vst v32  }
0xd4: {  	[hbm4b:s9+s2] =	stream.linear.scatter [tilespmem:s16], [sflag:$0x3], $0x8000, $0x38;
	[tilespmem:$0xA600] =	vst v63  }
0xd5: {  	_ =	swait.ge [sflag:s12], $0x8000  }
0xd6: {  	p0 =	sne.s32 s11, $0x1;
	[sflag:s12] =	ssyncset.done $0x0  }
.Ltmp0:
0xd7: {  	[sflag:s12] =	ssyncadd.s32 $0xFFFF8000;
	(pc) =	sbr.rel @p0 .LBB2_1-.Ltmp0, $4  }
0xd8: {  	[hbm4b:s10+s2] =	stream.linear.scatter [tilespmem:s31], [sflag:$0x3], $0x200, $0x38;
	[tilespmem:$0xA600] =	vst v63  }
0xd9: {  	_ =	swait.ge [sflag:s12], $0x200  }
0xda: {  	[sflag:s12] =	ssyncset.done $0x0  }
0xdb: {  	s11 =	sadd.s32 $0xFFFFFFFF, s11;
	[sflag:s12] =	ssyncadd.s32 $0xFFFFFE00  }
0xdc: {  	_ =	sfence.sel $0x180000  }
0xdd: {  	[bflag:$0x0] =	sbarrier.arrive $0xFFFF  }
0xde: {  	p0 =	sne.s32 s1, $0x0;
	_ =	strace $0x90000047  }
0xdf: {  	s0 =	sadd.s32 @!p0 $0x100000, s0;
	[bflag:$0x2] =	sbarrier.arrive $0xFFFF  }
0xe0: {  	[sflag:s0] =	ssyncadd.tile.s32 @!p0 $0x1;
	_ =	shalt  }
.Lfunc_end2:
_tile_overlayer_lowered:
.L_overlay_start_2:
0xe1: {  	(tag) =	ssettag $0x2  }
0xe2: {  	s0 =	rddreg [dreg:$0x0];
	s2 =	stileid.u32  }
0xe3: {  	s1 =	rddreg [dreg:$0x1];
	p0 =	sne.s32 s2, $0x0  }
0xe4: {  	s3 =	rddreg [dreg:$0x2];
	[bflag:$0x3] =	sbarrier.arrive $0xFFFF;
	s2 =	simm.s32 @!p0 $0x1C03  }
0xe5: {  	[timem:s3], [sflag:s2] =	dma.local @!p0 [hbm:s0], s1  }
0xe6: {  	s0 =	simm.s32 @!p0 $0x3  }
0xe7: {  	_ =	swait.ge @!p0 [sflag:s0], s1  }
0xe8: {  	s1 =	ssub.s32 @!p0 $0x0, s1;
	[sflag:s0] =	ssyncset.done @!p0 $0x0  }
0xe9: {  	[sflag:s0] =	ssyncadd.s32 @!p0 s1  }
0xea: {  	[bflag:$0x3] =	sbarrier.arrive $0xFFFF  }
0xeb: {  	_ =	shalt  }

</sc_bundles>
